<compile_context>
chip_gen: v7x
topology: tpu7x:2x2x1
jax: 0.10.2.dev20260603
libtpu: 0.0.44.dev20260713+nightly
codegen_flags: <defaults>
</compile_context>

<pallas_src>
import dataclasses
import functools

import jax
import jax.numpy as jnp
from jax import lax
from jax.experimental import pallas as pl
from jax.experimental.pallas import tpu as pltpu
from jax.experimental.pallas import tpu_sc as plsc

_NW = 32
_WIN = 896
_L = 16


def _sc_compiler_params():
    cp = pltpu.CompilerParams(use_tc_tiling_on_sc=False)
    if "needs_layout_passes" in pltpu.CompilerParams.__dataclass_fields__:
        cp = dataclasses.replace(cp, needs_layout_passes=False)
    return cp


def _make_sampler(N, C, H, W, P):
    mesh = plsc.VectorSubcoreMesh(core_axis_name="c", subcore_axis_name="s")
    NP = N * P
    nwin_tot = NP // _WIN
    nprep = nwin_tot // _NW
    nwin_b = P // _WIN
    cq = C // 4
    npair = cq // 2

    @functools.partial(
        pl.kernel,
        mesh=mesh,
        out_type=[
            jax.ShapeDtypeStruct((N, C, P), jnp.float32),
            jax.ShapeDtypeStruct((nwin_tot, 8, _WIN), jnp.int32),
        ],
        compiler_params=_sc_compiler_params(),
        scratch_types=[
            pltpu.VMEM((P,), jnp.float32),
            pltpu.VMEM((P,), jnp.float32),
            pltpu.VMEM((2, 8, _WIN), jnp.int32),
            pltpu.VMEM((2, 2, _WIN), jnp.float32),
            pltpu.VMEM((_WIN,), jnp.float32),
            pltpu.VMEM((_WIN,), jnp.float32),
            pltpu.SemaphoreType.DMA,
            pltpu.SemaphoreType.DMA,
            pltpu.SemaphoreType.DMA,
            pltpu.SemaphoreType.DMA,
            pltpu.SemaphoreType.DMA,
        ],
    )
    def sampler(x_hbm, gx_hbm, gy_hbm, out_hbm, idx_hbm,
                imga, imgb, idx2, ov2, gxv, gyv,
                insem0, insem1, outsem0, outsem1, imgsem):
        wid = lax.axis_index("c") * 16 + lax.axis_index("s")
        n = wid // 4
        q = wid % 4
        insems = (insem0, insem1)
        outsems = (outsem0, outsem1)

        @pl.loop(0, nprep)
        def _prepwin(w):
            gwin = wid * nprep + w
            start = gwin * _WIN
            pltpu.sync_copy(gx_hbm.at[pl.ds(start, _WIN)], gxv)
            pltpu.sync_copy(gy_hbm.at[pl.ds(start, _WIN)], gyv)

            @pl.loop(0, _WIN, step=_L)
            def _prep16(i):
                s = pl.ds(i, _L)
                ix = (gxv[s] + 1.0) * (W * 0.5) - 0.5
                iy = (gyv[s] + 1.0) * (H * 0.5) - 0.5
                ix0 = (ix + 1024.0).astype(jnp.int32) - 1024
                iy0 = (iy + 1024.0).astype(jnp.int32) - 1024
                wx1 = ix - ix0.astype(jnp.float32)
                wy1 = iy - iy0.astype(jnp.float32)
                wx0 = 1.0 - wx1
                wy0 = 1.0 - wy1
                vx0 = (ix0 >= 0) & (ix0 <= W - 1)
                vx1 = (ix0 >= -1) & (ix0 <= W - 2)
                vy0 = (iy0 >= 0) & (iy0 <= H - 1)
                vy1 = (iy0 >= -1) & (iy0 <= H - 2)
                cx0 = jnp.clip(ix0, 0, W - 1)
                cx1 = jnp.clip(ix0 + 1, 0, W - 1)
                r0 = jnp.clip(iy0, 0, H - 1) * W
                r1 = jnp.clip(iy0 + 1, 0, H - 1) * W
                idx2[0, 0, s] = r0 + cx0
                idx2[0, 1, s] = r0 + cx1
                idx2[0, 2, s] = r1 + cx0
                idx2[0, 3, s] = r1 + cx1
                zero = jnp.zeros((_L,), jnp.float32)
                w00 = jnp.where(vx0 & vy0, wx0 * wy0, zero)
                w01 = jnp.where(vx1 & vy0, wx1 * wy0, zero)
                w10 = jnp.where(vx0 & vy1, wx0 * wy1, zero)
                w11 = jnp.where(vx1 & vy1, wx1 * wy1, zero)
                idx2[0, 4, s] = plsc.bitcast(w00, jnp.int32)
                idx2[0, 5, s] = plsc.bitcast(w01, jnp.int32)
                idx2[0, 6, s] = plsc.bitcast(w10, jnp.int32)
                idx2[0, 7, s] = plsc.bitcast(w11, jnp.int32)

            pltpu.sync_copy(idx2.at[0], idx_hbm.at[gwin])

        plsc.subcore_barrier()

        def fire_in(gw, b):
            pltpu.async_copy(idx_hbm.at[gw], idx2.at[b], insems[b])

        def wait_in(b):
            pltpu.make_async_copy(idx_hbm.at[0], idx2.at[b],
                                  insems[b]).wait()

        def wait_out(b):
            pltpu.make_async_copy(
                ov2.at[b], out_hbm.at[0, pl.ds(0, 2), pl.ds(0, _WIN)],
                outsems[b]).wait()

        @pl.loop(0, npair)
        def _pair(t):
            c0 = q * cq + 2 * t
            pltpu.async_copy(x_hbm.at[n, c0], imga, imgsem)
            pltpu.async_copy(x_hbm.at[n, c0 + 1], imgb, imgsem)
            pltpu.make_async_copy(x_hbm.at[0, 0], imga, imgsem).wait()
            pltpu.make_async_copy(x_hbm.at[0, 0], imgb, imgsem).wait()
            fire_in(n * nwin_b, 0)

            @pl.loop(0, nwin_b // 2)
            def _wpair(wi2):
                for b in (0, 1):
                    wi = wi2 * 2 + b

                    @pl.when(wi < nwin_b - 1)
                    def _prefetch():
                        fire_in(n * nwin_b + wi + 1, 1 - b)

                    wait_in(b)

                    @pl.when(t * nwin_b + wi >= 2)
                    def _reclaim():
                        wait_out(b)

                    @pl.loop(0, _WIN, step=_L)
                    def _group(i):
                        for u in range(1):
                            s = pl.ds(i + u * _L, _L)
                            i00 = idx2[b, 0, s]
                            i01 = idx2[b, 1, s]
                            i10 = idx2[b, 2, s]
                            i11 = idx2[b, 3, s]
                            w00 = plsc.bitcast(idx2[b, 4, s], jnp.float32)
                            w01 = plsc.bitcast(idx2[b, 5, s], jnp.float32)
                            w10 = plsc.bitcast(idx2[b, 6, s], jnp.float32)
                            w11 = plsc.bitcast(idx2[b, 7, s], jnp.float32)
                            ov2[b, 0, s] = (
                                plsc.load_gather(imga, [i00]) * w00
                                + plsc.load_gather(imga, [i01]) * w01
                                + plsc.load_gather(imga, [i10]) * w10
                                + plsc.load_gather(imga, [i11]) * w11)
                            ov2[b, 1, s] = (
                                plsc.load_gather(imgb, [i00]) * w00
                                + plsc.load_gather(imgb, [i01]) * w01
                                + plsc.load_gather(imgb, [i10]) * w10
                                + plsc.load_gather(imgb, [i11]) * w11)

                    pltpu.async_copy(
                        ov2.at[b],
                        out_hbm.at[n, pl.ds(c0, 2), pl.ds(wi * _WIN, _WIN)],
                        outsems[b])

        wait_out(0)
        wait_out(1)

    return sampler


def kernel(x, grid):
    N, C, H, W = x.shape
    P = H * W
    NP = N * P
    gx = grid[..., 0].reshape(NP)
    gy = grid[..., 1].reshape(NP)
    out, _ = _make_sampler(N, C, H, W, P)(x.reshape(N, C, P), gx, gy)
    return out.reshape(N, C, H, W)

# --- scband reference (transcript-rebuilt; emitter-appended) ---
"""Pipeline reference for scband-dense-grid-82961588290045 (READ-ONLY COPY).

The authoritative reference and input builder live on the scoring server;
editing this copy changes nothing except your own understanding.
"""

import jax, jax.numpy as jnp
import numpy as np


def _grid_sample_bilinear_zeros(x, grid):
    # Faithful port of torch.nn.functional.grid_sample with
    # mode='bilinear', padding_mode='zeros', align_corners=False (torch defaults).
    N, C, H, W = x.shape
    gx = grid[..., 0]
    gy = grid[..., 1]
    # unnormalize (align_corners=False)
    ix = ((gx + 1.0) * W - 1.0) / 2.0
    iy = ((gy + 1.0) * H - 1.0) / 2.0
    ix0 = jnp.floor(ix)
    iy0 = jnp.floor(iy)
    ix1 = ix0 + 1.0
    iy1 = iy0 + 1.0
    wx1 = ix - ix0
    wx0 = 1.0 - wx1
    wy1 = iy - iy0
    wy0 = 1.0 - wy1
    bidx = jnp.arange(N)[:, None, None]

    def gather(ixf, iyf):
        valid = (ixf >= 0) & (ixf <= W - 1) & (iyf >= 0) & (iyf <= H - 1)
        ixc = jnp.clip(ixf, 0, W - 1).astype(jnp.int32)
        iyc = jnp.clip(iyf, 0, H - 1).astype(jnp.int32)
        # advanced indexing: [N,Ho,Wo,C]
        vals = x[bidx, :, iyc, ixc]
        return jnp.where(valid[..., None], vals, 0.0)

    v00 = gather(ix0, iy0)
    v01 = gather(ix1, iy0)
    v10 = gather(ix0, iy1)
    v11 = gather(ix1, iy1)
    out = (v00 * (wx0 * wy0)[..., None]
           + v01 * (wx1 * wy0)[..., None]
           + v10 * (wx0 * wy1)[..., None]
           + v11 * (wx1 * wy1)[..., None])
    return jnp.transpose(out, (0, 3, 1, 2))


def setup_inputs(seed: int = 0) -> dict:
    key = jax.random.key(seed)
    k1, k2 = jax.random.split(key)
    x = jax.random.normal(k1, (8, 96, 224, 224), dtype=jnp.float32)
    grid = jax.random.uniform(k2, (8, 224, 224, 2), dtype=jnp.float32, minval=-1.0, maxval=1.0)
    return {"x": x, "grid": grid}


def reference(x, grid):
    return _grid_sample_bilinear_zeros(x, grid)

if __name__ == "__main__":
    import jax
    _d = setup_inputs()
    print(jax.jit(kernel)(*tuple(_d.values())))

</pallas_src>

<mosaic_0001>
#map = affine_map<(d0, d1) -> (0, 0, 0)>
#map1 = affine_map<(d0, d1) -> (0)>
module attributes {stable_mosaic.version = 14 : i64} {
  func.func @sampler(%arg0: i32, %arg1: i32, %arg2: memref<8x96x50176xf32, #tpu.memory_space<hbm>>, %arg3: memref<401408xf32, #tpu.memory_space<hbm>>, %arg4: memref<401408xf32, #tpu.memory_space<hbm>>, %arg5: memref<8x96x50176xf32, #tpu.memory_space<hbm>>, %arg6: memref<448x8x896xi32, #tpu.memory_space<hbm>>, %arg7: memref<50176xf32, #tpu.memory_space<vmem>>, %arg8: memref<50176xf32, #tpu.memory_space<vmem>>, %arg9: memref<2x8x896xi32, #tpu.memory_space<vmem>>, %arg10: memref<2x2x896xf32, #tpu.memory_space<vmem>>, %arg11: memref<896xf32, #tpu.memory_space<vmem>>, %arg12: memref<896xf32, #tpu.memory_space<vmem>>, %arg13: memref<!tpu.dma_semaphore, #tpu.memory_space<semaphore_mem>>, %arg14: memref<!tpu.dma_semaphore, #tpu.memory_space<semaphore_mem>>, %arg15: memref<!tpu.dma_semaphore, #tpu.memory_space<semaphore_mem>>, %arg16: memref<!tpu.dma_semaphore, #tpu.memory_space<semaphore_mem>>, %arg17: memref<!tpu.dma_semaphore, #tpu.memory_space<semaphore_mem>>) attributes {dimension_semantics = [#tpu.dimension_semantics<core_parallel>, #tpu.dimension_semantics<subcore_parallel>], iteration_bounds = array<i64: 2, 16>, scalar_prefetch = 0 : i64, scratch_operands = 11 : i64, tpu.core_type = #tpu.core_type<sc_vector_subcore>, window_params = [{transform_indices = #map}, {transform_indices = #map1}, {transform_indices = #map1}, {transform_indices = #map}, {transform_indices = #map}]} {
    %mul3A = arith.constant 16 : i32
    %mul3A_0 = arith.muli %arg0, %mul3A : i32
    %add3A = arith.addi %mul3A_0, %arg1 : i32
    %jit3A = arith.constant 4 : i32
    %div3A = arith.divsi %add3A, %jit3A : i32
    %sign3A = arith.constant 0 : i32
    %sign3A_1 = arith.cmpi sgt, %add3A, %sign3A : i32
    %sign3A_2 = arith.extui %sign3A_1 : i1 to i32
    %sign3A_3 = arith.constant 0 : i32
    %sign3A_4 = arith.cmpi slt, %add3A, %sign3A_3 : i32
    %sign3A_5 = arith.extui %sign3A_4 : i1 to i32
    %sign3A_6 = arith.subi %sign3A_2, %sign3A_5 : i32
    %sign3A_7 = arith.constant 0 : i32
    %sign3A_8 = arith.cmpi sgt, %jit3A, %sign3A_7 : i32
    %sign3A_9 = arith.extui %sign3A_8 : i1 to i32
    %sign3A_10 = arith.constant 0 : i32
    %sign3A_11 = arith.cmpi slt, %jit3A, %sign3A_10 : i32
    %sign3A_12 = arith.extui %sign3A_11 : i1 to i32
    %sign3A_13 = arith.subi %sign3A_9, %sign3A_12 : i32
    %ne3A = arith.cmpi ne, %sign3A_6, %sign3A_13 : i32
    %rem3A = arith.remsi %add3A, %jit3A : i32
    %ne3A_14 = arith.constant 0 : i32
    %ne3A_15 = arith.cmpi ne, %rem3A, %ne3A_14 : i32
    %and3A = arith.andi %ne3A, %ne3A_15 : i1
    %sub3A = arith.constant 1 : i32
    %sub3A_16 = arith.subi %div3A, %sub3A : i32
    %select_n3A = arith.select %and3A, %sub3A_16, %div3A : i32
    %jit3A_17 = arith.constant 4 : i32
    %eq3A = arith.constant 0 : i32
    %eq3A_18 = arith.cmpi eq, %jit3A_17, %eq3A : i32
    %jit3A_19 = arith.constant 1 : i32
    %select_n3A_20 = arith.select %eq3A_18, %jit3A_19, %jit3A_17 : i32
    %rem3A_21 = arith.remsi %add3A, %select_n3A_20 : i32
    %ne3A_22 = arith.constant 0 : i32
    %ne3A_23 = arith.cmpi ne, %rem3A_21, %ne3A_22 : i32
    %lt3A = arith.constant 0 : i32
    %lt3A_24 = arith.cmpi slt, %rem3A_21, %lt3A : i32
    %lt3A_25 = arith.constant 0 : i32
    %lt3A_26 = arith.cmpi slt, %select_n3A_20, %lt3A_25 : i32
    %ne3A_27 = arith.xori %lt3A_24, %lt3A_26 : i1
    %and3A_28 = arith.andi %ne3A_27, %ne3A_23 : i1
    %add3A_29 = arith.addi %rem3A_21, %select_n3A_20 : i32
    %select_n3A_30 = arith.select %and3A_28, %add3A_29, %rem3A_21 : i32
    %scan3A = arith.constant 0 : i32
    %scan3A_31 = arith.constant 14 : i32
    %scan3A_32 = arith.addi %scan3A, %scan3A_31 : i32
    %scan3A_33 = arith.constant 1 : i32
    scf.for %scan3A_75 = %scan3A to %scan3A_32 step %scan3A_33  : i32 {
      %mul3A_76 = arith.constant 1 : i32
      %mul3A_77 = arith.muli %scan3A_75, %mul3A_76 : i32
      %add3A_78 = arith.constant 0 : i32
      %add3A_79 = arith.addi %add3A_78, %mul3A_77 : i32
      %mul3A_80 = arith.constant 14 : i32
      %mul3A_81 = arith.muli %add3A, %mul3A_80 : i32
      %add3A_82 = arith.addi %mul3A_81, %add3A_79 : i32
      %mul3A_83 = arith.constant 896 : i32
      %mul3A_84 = arith.muli %add3A_82, %mul3A_83 : i32
      "tpu.region"() ({
        %run_scoped3A_90 = tpu.sem_alloc : memref<!tpu.dma_semaphore, #tpu.memory_space<semaphore_mem>>
        %dma_start3A = tpu.memref_slice %arg3[%mul3A_84] : memref<401408xf32, #tpu.memory_space<hbm>> -> memref<896xf32, #tpu.memory_space<hbm>>
        %dma_start3A_91 = tpu.memref_slice %arg3[%mul3A_84] : memref<401408xf32, #tpu.memory_space<hbm>> -> memref<896xf32, #tpu.memory_space<hbm>>
        tpu.enqueue_dma source(%dma_start3A_91 : memref<896xf32, #tpu.memory_space<hbm>>) target(%arg11 : memref<896xf32, #tpu.memory_space<vmem>>) target_semaphore(%run_scoped3A_90 : memref<!tpu.dma_semaphore, #tpu.memory_space<semaphore_mem>>)
        %dma_wait3A_92 = tpu.memref_slice %arg3[%mul3A_84] : memref<401408xf32, #tpu.memory_space<hbm>> -> memref<896xf32, #tpu.memory_space<hbm>>
        %dma_wait3A_93 = tpu.memref_slice %arg3[%mul3A_84] : memref<401408xf32, #tpu.memory_space<hbm>> -> memref<896xf32, #tpu.memory_space<hbm>>
        tpu.wait_dma2 semaphore(%run_scoped3A_90 : memref<!tpu.dma_semaphore, #tpu.memory_space<semaphore_mem>>) src(%dma_wait3A_93 : memref<896xf32, #tpu.memory_space<hbm>>) dst(%arg11 : memref<896xf32, #tpu.memory_space<vmem>>)
        tpu.yield
      }) : () -> ()
      "tpu.region"() ({
        %run_scoped3A_90 = tpu.sem_alloc : memref<!tpu.dma_semaphore, #tpu.memory_space<semaphore_mem>>
        %dma_start3A = tpu.memref_slice %arg4[%mul3A_84] : memref<401408xf32, #tpu.memory_space<hbm>> -> memref<896xf32, #tpu.memory_space<hbm>>
        %dma_start3A_91 = tpu.memref_slice %arg4[%mul3A_84] : memref<401408xf32, #tpu.memory_space<hbm>> -> memref<896xf32, #tpu.memory_space<hbm>>
        tpu.enqueue_dma source(%dma_start3A_91 : memref<896xf32, #tpu.memory_space<hbm>>) target(%arg12 : memref<896xf32, #tpu.memory_space<vmem>>) target_semaphore(%run_scoped3A_90 : memref<!tpu.dma_semaphore, #tpu.memory_space<semaphore_mem>>)
        %dma_wait3A_92 = tpu.memref_slice %arg4[%mul3A_84] : memref<401408xf32, #tpu.memory_space<hbm>> -> memref<896xf32, #tpu.memory_space<hbm>>
        %dma_wait3A_93 = tpu.memref_slice %arg4[%mul3A_84] : memref<401408xf32, #tpu.memory_space<hbm>> -> memref<896xf32, #tpu.memory_space<hbm>>
        tpu.wait_dma2 semaphore(%run_scoped3A_90 : memref<!tpu.dma_semaphore, #tpu.memory_space<semaphore_mem>>) src(%dma_wait3A_93 : memref<896xf32, #tpu.memory_space<hbm>>) dst(%arg12 : memref<896xf32, #tpu.memory_space<vmem>>)
        tpu.yield
      }) : () -> ()
      %scan3A_85 = arith.constant 0 : i32
      %scan3A_86 = arith.constant 56 : i32
      %scan3A_87 = arith.addi %scan3A_85, %scan3A_86 : i32
      %scan3A_88 = arith.constant 1 : i32
      scf.for %scan3A_90 = %scan3A_85 to %scan3A_87 step %scan3A_88  : i32 {
        %mul3A_91 = arith.constant 16 : i32
        %mul3A_92 = arith.muli %scan3A_90, %mul3A_91 : i32
        %add3A_93 = arith.constant 0 : i32
        %add3A_94 = arith.addi %add3A_93, %mul3A_92 : i32
        %get3A = arith.index_cast %add3A_94 : i32 to index
        %get3A_95 = tpu.vector_load %arg11[%get3A] {strides = array<i32>} : memref<896xf32, #tpu.memory_space<vmem>>, vector<16xf32>,
        %add3A_96 = arith.constant 1.000000e+00 : f32
        %add3A_97 = vector.broadcast %add3A_96 : f32 to vector<16xf32>
        %add3A_98 = arith.addf %get3A_95, %add3A_97 : vector<16xf32>
        %mul3A_99 = arith.constant 1.120000e+02 : f32
        %mul3A_100 = vector.broadcast %mul3A_99 : f32 to vector<16xf32>
        %mul3A_101 = arith.mulf %add3A_98, %mul3A_100 : vector<16xf32>
        %sub3A_102 = arith.constant 5.000000e-01 : f32
        %sub3A_103 = vector.broadcast %sub3A_102 : f32 to vector<16xf32>
        %sub3A_104 = arith.subf %mul3A_101, %sub3A_103 : vector<16xf32>
        %get3A_105 = arith.index_cast %add3A_94 : i32 to index
        %get3A_106 = tpu.vector_load %arg12[%get3A_105] {strides = array<i32>} : memref<896xf32, #tpu.memory_space<vmem>>, vector<16xf32>,
        %add3A_107 = arith.constant 1.000000e+00 : f32
        %add3A_108 = vector.broadcast %add3A_107 : f32 to vector<16xf32>
        %add3A_109 = arith.addf %get3A_106, %add3A_108 : vector<16xf32>
        %mul3A_110 = arith.constant 1.120000e+02 : f32
        %mul3A_111 = vector.broadcast %mul3A_110 : f32 to vector<16xf32>
        %mul3A_112 = arith.mulf %add3A_109, %mul3A_111 : vector<16xf32>
        %sub3A_113 = arith.constant 5.000000e-01 : f32
        %sub3A_114 = vector.broadcast %sub3A_113 : f32 to vector<16xf32>
        %sub3A_115 = arith.subf %mul3A_112, %sub3A_114 : vector<16xf32>
        %add3A_116 = arith.constant 1.024000e+03 : f32
        %add3A_117 = vector.broadcast %add3A_116 : f32 to vector<16xf32>
        %add3A_118 = arith.addf %sub3A_104, %add3A_117 : vector<16xf32>
        %convert_element_type3A = arith.fptosi %add3A_118 : vector<16xf32> to vector<16xi32>
        %sub3A_119 = arith.constant 1024 : i32
        %sub3A_120 = vector.broadcast %sub3A_119 : i32 to vector<16xi32>
        %sub3A_121 = arith.subi %convert_element_type3A, %sub3A_120 : vector<16xi32>
        %add3A_122 = arith.constant 1.024000e+03 : f32
        %add3A_123 = vector.broadcast %add3A_122 : f32 to vector<16xf32>
        %add3A_124 = arith.addf %sub3A_115, %add3A_123 : vector<16xf32>
        %convert_element_type3A_125 = arith.fptosi %add3A_124 : vector<16xf32> to vector<16xi32>
        %sub3A_126 = arith.constant 1024 : i32
        %sub3A_127 = vector.broadcast %sub3A_126 : i32 to vector<16xi32>
        %sub3A_128 = arith.subi %convert_element_type3A_125, %sub3A_127 : vector<16xi32>
        %convert_element_type3A_129 = arith.sitofp %sub3A_121 : vector<16xi32> to vector<16xf32>
        %sub3A_130 = arith.subf %sub3A_104, %convert_element_type3A_129 : vector<16xf32>
        %convert_element_type3A_131 = arith.sitofp %sub3A_128 : vector<16xi32> to vector<16xf32>
        %sub3A_132 = arith.subf %sub3A_115, %convert_element_type3A_131 : vector<16xf32>
        %sub3A_133 = arith.constant 1.000000e+00 : f32
        %sub3A_134 = vector.broadcast %sub3A_133 : f32 to vector<16xf32>
        %sub3A_135 = arith.subf %sub3A_134, %sub3A_130 : vector<16xf32>
        %sub3A_136 = arith.constant 1.000000e+00 : f32
        %sub3A_137 = vector.broadcast %sub3A_136 : f32 to vector<16xf32>
        %sub3A_138 = arith.subf %sub3A_137, %sub3A_132 : vector<16xf32>
        %ge3A = arith.constant 0 : i32
        %ge3A_139 = vector.broadcast %ge3A : i32 to vector<16xi32>
        %ge3A_140 = arith.cmpi sge, %sub3A_121, %ge3A_139 : vector<16xi32>
        %le3A = arith.constant 223 : i32
        %le3A_141 = vector.broadcast %le3A : i32 to vector<16xi32>
        %le3A_142 = arith.cmpi sle, %sub3A_121, %le3A_141 : vector<16xi32>
        %and3A_143 = arith.andi %ge3A_140, %le3A_142 : vector<16xi1>
        %ge3A_144 = arith.constant -1 : i32
        %ge3A_145 = vector.broadcast %ge3A_144 : i32 to vector<16xi32>
        %ge3A_146 = arith.cmpi sge, %sub3A_121, %ge3A_145 : vector<16xi32>
        %le3A_147 = arith.constant 222 : i32
        %le3A_148 = vector.broadcast %le3A_147 : i32 to vector<16xi32>
        %le3A_149 = arith.cmpi sle, %sub3A_121, %le3A_148 : vector<16xi32>
        %and3A_150 = arith.andi %ge3A_146, %le3A_149 : vector<16xi1>
        %ge3A_151 = arith.constant 0 : i32
        %ge3A_152 = vector.broadcast %ge3A_151 : i32 to vector<16xi32>
        %ge3A_153 = arith.cmpi sge, %sub3A_128, %ge3A_152 : vector<16xi32>
        %le3A_154 = arith.constant 223 : i32
        %le3A_155 = vector.broadcast %le3A_154 : i32 to vector<16xi32>
        %le3A_156 = arith.cmpi sle, %sub3A_128, %le3A_155 : vector<16xi32>
        %and3A_157 = arith.andi %ge3A_153, %le3A_156 : vector<16xi1>
        %ge3A_158 = arith.constant -1 : i32
        %ge3A_159 = vector.broadcast %ge3A_158 : i32 to vector<16xi32>
        %ge3A_160 = arith.cmpi sge, %sub3A_128, %ge3A_159 : vector<16xi32>
        %le3A_161 = arith.constant 222 : i32
        %le3A_162 = vector.broadcast %le3A_161 : i32 to vector<16xi32>
        %le3A_163 = arith.cmpi sle, %sub3A_128, %le3A_162 : vector<16xi32>
        %and3A_164 = arith.andi %ge3A_160, %le3A_163 : vector<16xi1>
        %jit3A_165 = arith.constant 0 : i32
        %jit3A_166 = arith.constant 223 : i32
        %max3A = vector.broadcast %jit3A_165 : i32 to vector<16xi32>
        %max3A_167 = arith.maxsi %max3A, %sub3A_121 : vector<16xi32>
        %min3A = vector.broadcast %jit3A_166 : i32 to vector<16xi32>
        %min3A_168 = arith.minsi %min3A, %max3A_167 : vector<16xi32>
        %add3A_169 = arith.constant 1 : i32
        %add3A_170 = vector.broadcast %add3A_169 : i32 to vector<16xi32>
        %add3A_171 = arith.addi %sub3A_121, %add3A_170 : vector<16xi32>
        %jit3A_172 = arith.constant 0 : i32
        %jit3A_173 = arith.constant 223 : i32
        %max3A_174 = vector.broadcast %jit3A_172 : i32 to vector<16xi32>
        %max3A_175 = arith.maxsi %max3A_174, %add3A_171 : vector<16xi32>
        %min3A_176 = vector.broadcast %jit3A_173 : i32 to vector<16xi32>
        %min3A_177 = arith.minsi %min3A_176, %max3A_175 : vector<16xi32>
        %jit3A_178 = arith.constant 0 : i32
        %jit3A_179 = arith.constant 223 : i32
        %max3A_180 = vector.broadcast %jit3A_178 : i32 to vector<16xi32>
        %max3A_181 = arith.maxsi %max3A_180, %sub3A_128 : vector<16xi32>
        %min3A_182 = vector.broadcast %jit3A_179 : i32 to vector<16xi32>
        %min3A_183 = arith.minsi %min3A_182, %max3A_181 : vector<16xi32>
        %mul3A_184 = arith.constant 224 : i32
        %mul3A_185 = vector.broadcast %mul3A_184 : i32 to vector<16xi32>
        %mul3A_186 = arith.muli %min3A_183, %mul3A_185 : vector<16xi32>
        %add3A_187 = arith.constant 1 : i32
        %add3A_188 = vector.broadcast %add3A_187 : i32 to vector<16xi32>
        %add3A_189 = arith.addi %sub3A_128, %add3A_188 : vector<16xi32>
        %jit3A_190 = arith.constant 0 : i32
        %jit3A_191 = arith.constant 223 : i32
        %max3A_192 = vector.broadcast %jit3A_190 : i32 to vector<16xi32>
        %max3A_193 = arith.maxsi %max3A_192, %add3A_189 : vector<16xi32>
        %min3A_194 = vector.broadcast %jit3A_191 : i32 to vector<16xi32>
        %min3A_195 = arith.minsi %min3A_194, %max3A_193 : vector<16xi32>
        %mul3A_196 = arith.constant 224 : i32
        %mul3A_197 = vector.broadcast %mul3A_196 : i32 to vector<16xi32>
        %mul3A_198 = arith.muli %min3A_195, %mul3A_197 : vector<16xi32>
        %add3A_199 = arith.addi %mul3A_186, %min3A_168 : vector<16xi32>
        %swap3A = arith.constant 0 : i32
        %swap3A_200 = arith.constant 0 : i32
        %swap3A_201 = arith.index_cast %swap3A : i32 to index
        %swap3A_202 = arith.index_cast %swap3A_200 : i32 to index
        %swap3A_203 = arith.index_cast %add3A_94 : i32 to index
        %swap3A_204 = tpu.vector_load %arg9[%swap3A_201, %swap3A_202, %swap3A_203] {strides = array<i32>} : memref<2x8x896xi32, #tpu.memory_space<vmem>>, vector<16xi32>,
        tpu.vector_store %arg9[%swap3A_201, %swap3A_202, %swap3A_203], %add3A_199 {strides = array<i32>} : memref<2x8x896xi32, #tpu.memory_space<vmem>>, vector<16xi32>,
        %add3A_205 = arith.addi %mul3A_186, %min3A_177 : vector<16xi32>
        %swap3A_206 = arith.constant 0 : i32
        %swap3A_207 = arith.constant 1 : i32
        %swap3A_208 = arith.index_cast %swap3A_206 : i32 to index
        %swap3A_209 = arith.index_cast %swap3A_207 : i32 to index
        %swap3A_210 = arith.index_cast %add3A_94 : i32 to index
        %swap3A_211 = tpu.vector_load %arg9[%swap3A_208, %swap3A_209, %swap3A_210] {strides = array<i32>} : memref<2x8x896xi32, #tpu.memory_space<vmem>>, vector<16xi32>,
        tpu.vector_store %arg9[%swap3A_208, %swap3A_209, %swap3A_210], %add3A_205 {strides = array<i32>} : memref<2x8x896xi32, #tpu.memory_space<vmem>>, vector<16xi32>,
        %add3A_212 = arith.addi %mul3A_198, %min3A_168 : vector<16xi32>
        %swap3A_213 = arith.constant 0 : i32
        %swap3A_214 = arith.constant 2 : i32
        %swap3A_215 = arith.index_cast %swap3A_213 : i32 to index
        %swap3A_216 = arith.index_cast %swap3A_214 : i32 to index
        %swap3A_217 = arith.index_cast %add3A_94 : i32 to index
        %swap3A_218 = tpu.vector_load %arg9[%swap3A_215, %swap3A_216, %swap3A_217] {strides = array<i32>} : memref<2x8x896xi32, #tpu.memory_space<vmem>>, vector<16xi32>,
        tpu.vector_store %arg9[%swap3A_215, %swap3A_216, %swap3A_217], %add3A_212 {strides = array<i32>} : memref<2x8x896xi32, #tpu.memory_space<vmem>>, vector<16xi32>,
        %add3A_219 = arith.addi %mul3A_198, %min3A_177 : vector<16xi32>
        %swap3A_220 = arith.constant 0 : i32
        %swap3A_221 = arith.constant 3 : i32
        %swap3A_222 = arith.index_cast %swap3A_220 : i32 to index
        %swap3A_223 = arith.index_cast %swap3A_221 : i32 to index
        %swap3A_224 = arith.index_cast %add3A_94 : i32 to index
        %swap3A_225 = tpu.vector_load %arg9[%swap3A_222, %swap3A_223, %swap3A_224] {strides = array<i32>} : memref<2x8x896xi32, #tpu.memory_space<vmem>>, vector<16xi32>,
        tpu.vector_store %arg9[%swap3A_222, %swap3A_223, %swap3A_224], %add3A_219 {strides = array<i32>} : memref<2x8x896xi32, #tpu.memory_space<vmem>>, vector<16xi32>,
        %broadcast_in_dim3A = arith.constant 0.000000e+00 : f32
        %broadcast_in_dim3A_226 = vector.broadcast %broadcast_in_dim3A : f32 to vector<16xf32>
        %and3A_227 = arith.andi %and3A_143, %and3A_157 : vector<16xi1>
        %mul3A_228 = arith.mulf %sub3A_135, %sub3A_138 : vector<16xf32>
        %select_n3A_229 = arith.select %and3A_227, %mul3A_228, %broadcast_in_dim3A_226 : vector<16xi1>, vector<16xf32>
        %and3A_230 = arith.andi %and3A_150, %and3A_157 : vector<16xi1>
        %mul3A_231 = arith.mulf %sub3A_130, %sub3A_138 : vector<16xf32>
        %select_n3A_232 = arith.select %and3A_230, %mul3A_231, %broadcast_in_dim3A_226 : vector<16xi1>, vector<16xf32>
        %and3A_233 = arith.andi %and3A_143, %and3A_164 : vector<16xi1>
        %mul3A_234 = arith.mulf %sub3A_135, %sub3A_132 : vector<16xf32>
        %select_n3A_235 = arith.select %and3A_233, %mul3A_234, %broadcast_in_dim3A_226 : vector<16xi1>, vector<16xf32>
        %and3A_236 = arith.andi %and3A_150, %and3A_164 : vector<16xi1>
        %mul3A_237 = arith.mulf %sub3A_130, %sub3A_132 : vector<16xf32>
        %select_n3A_238 = arith.select %and3A_236, %mul3A_237, %broadcast_in_dim3A_226 : vector<16xi1>, vector<16xf32>
        %bitcast3A = vector.bitcast %select_n3A_229 : vector<16xf32> to vector<16xi32>
        %swap3A_239 = arith.constant 0 : i32
        %swap3A_240 = arith.constant 4 : i32
        %swap3A_241 = arith.index_cast %swap3A_239 : i32 to index
        %swap3A_242 = arith.index_cast %swap3A_240 : i32 to index
        %swap3A_243 = arith.index_cast %add3A_94 : i32 to index
        %swap3A_244 = tpu.vector_load %arg9[%swap3A_241, %swap3A_242, %swap3A_243] {strides = array<i32>} : memref<2x8x896xi32, #tpu.memory_space<vmem>>, vector<16xi32>,
        tpu.vector_store %arg9[%swap3A_241, %swap3A_242, %swap3A_243], %bitcast3A {strides = array<i32>} : memref<2x8x896xi32, #tpu.memory_space<vmem>>, vector<16xi32>,
        %bitcast3A_245 = vector.bitcast %select_n3A_232 : vector<16xf32> to vector<16xi32>
        %swap3A_246 = arith.constant 0 : i32
        %swap3A_247 = arith.constant 5 : i32
        %swap3A_248 = arith.index_cast %swap3A_246 : i32 to index
        %swap3A_249 = arith.index_cast %swap3A_247 : i32 to index
        %swap3A_250 = arith.index_cast %add3A_94 : i32 to index
        %swap3A_251 = tpu.vector_load %arg9[%swap3A_248, %swap3A_249, %swap3A_250] {strides = array<i32>} : memref<2x8x896xi32, #tpu.memory_space<vmem>>, vector<16xi32>,
        tpu.vector_store %arg9[%swap3A_248, %swap3A_249, %swap3A_250], %bitcast3A_245 {strides = array<i32>} : memref<2x8x896xi32, #tpu.memory_space<vmem>>, vector<16xi32>,
        %bitcast3A_252 = vector.bitcast %select_n3A_235 : vector<16xf32> to vector<16xi32>
        %swap3A_253 = arith.constant 0 : i32
        %swap3A_254 = arith.constant 6 : i32
        %swap3A_255 = arith.index_cast %swap3A_253 : i32 to index
        %swap3A_256 = arith.index_cast %swap3A_254 : i32 to index
        %swap3A_257 = arith.index_cast %add3A_94 : i32 to index
        %swap3A_258 = tpu.vector_load %arg9[%swap3A_255, %swap3A_256, %swap3A_257] {strides = array<i32>} : memref<2x8x896xi32, #tpu.memory_space<vmem>>, vector<16xi32>,
        tpu.vector_store %arg9[%swap3A_255, %swap3A_256, %swap3A_257], %bitcast3A_252 {strides = array<i32>} : memref<2x8x896xi32, #tpu.memory_space<vmem>>, vector<16xi32>,
        %bitcast3A_259 = vector.bitcast %select_n3A_238 : vector<16xf32> to vector<16xi32>
        %swap3A_260 = arith.constant 0 : i32
        %swap3A_261 = arith.constant 7 : i32
        %swap3A_262 = arith.index_cast %swap3A_260 : i32 to index
        %swap3A_263 = arith.index_cast %swap3A_261 : i32 to index
        %swap3A_264 = arith.index_cast %add3A_94 : i32 to index
        %swap3A_265 = tpu.vector_load %arg9[%swap3A_262, %swap3A_263, %swap3A_264] {strides = array<i32>} : memref<2x8x896xi32, #tpu.memory_space<vmem>>, vector<16xi32>,
        tpu.vector_store %arg9[%swap3A_262, %swap3A_263, %swap3A_264], %bitcast3A_259 {strides = array<i32>} : memref<2x8x896xi32, #tpu.memory_space<vmem>>, vector<16xi32>,
      }
      %scan3A_89 = arith.constant 56 : i32
      %run_scoped3A = arith.constant 0 : i32
      "tpu.region"() ({
        %run_scoped3A_90 = tpu.sem_alloc : memref<!tpu.dma_semaphore, #tpu.memory_space<semaphore_mem>>
        %dma_start3A = arith.constant 0 : i32
        %dma_start3A_91 = arith.constant 0 : i32
        %dma_start3A_92 = tpu.memref_slice %arg9[%run_scoped3A, %dma_start3A, %dma_start3A_91] : memref<2x8x896xi32, #tpu.memory_space<vmem>> -> memref<1x8x896xi32, #tpu.memory_space<vmem>>
        %dma_start3A_93 = tpu.memref_squeeze %dma_start3A_92 : memref<1x8x896xi32, #tpu.memory_space<vmem>> -> memref<8x896xi32, #tpu.memory_space<vmem>>
        %dma_start3A_94 = arith.constant 0 : i32
        %dma_start3A_95 = arith.constant 0 : i32
        %dma_start3A_96 = tpu.memref_slice %arg6[%add3A_82, %dma_start3A_94, %dma_start3A_95] : memref<448x8x896xi32, #tpu.memory_space<hbm>> -> memref<1x8x896xi32, #tpu.memory_space<hbm>>
        %dma_start3A_97 = tpu.memref_squeeze %dma_start3A_96 : memref<1x8x896xi32, #tpu.memory_space<hbm>> -> memref<8x896xi32, #tpu.memory_space<hbm>>
        %dma_start3A_98 = arith.constant 0 : i32
        %dma_start3A_99 = arith.constant 0 : i32
        %dma_start3A_100 = tpu.memref_slice %arg6[%add3A_82, %dma_start3A_98, %dma_start3A_99] : memref<448x8x896xi32, #tpu.memory_space<hbm>> -> memref<1x8x896xi32, #tpu.memory_space<hbm>>
        %dma_start3A_101 = tpu.memref_squeeze %dma_start3A_100 : memref<1x8x896xi32, #tpu.memory_space<hbm>> -> memref<8x896xi32, #tpu.memory_space<hbm>>
        %dma_start3A_102 = arith.constant 0 : i32
        %dma_start3A_103 = arith.constant 0 : i32
        %dma_start3A_104 = tpu.memref_slice %arg9[%run_scoped3A, %dma_start3A_102, %dma_start3A_103] : memref<2x8x896xi32, #tpu.memory_space<vmem>> -> memref<1x8x896xi32, #tpu.memory_space<vmem>>
        %dma_start3A_105 = tpu.memref_squeeze %dma_start3A_104 : memref<1x8x896xi32, #tpu.memory_space<vmem>> -> memref<8x896xi32, #tpu.memory_space<vmem>>
        tpu.enqueue_dma source(%dma_start3A_105 : memref<8x896xi32, #tpu.memory_space<vmem>>) target(%dma_start3A_101 : memref<8x896xi32, #tpu.memory_space<hbm>>) target_semaphore(%run_scoped3A_90 : memref<!tpu.dma_semaphore, #tpu.memory_space<semaphore_mem>>)
        %dma_wait3A_106 = arith.constant 0 : i32
        %dma_wait3A_107 = arith.constant 0 : i32
        %dma_wait3A_108 = tpu.memref_slice %arg9[%run_scoped3A, %dma_wait3A_106, %dma_wait3A_107] : memref<2x8x896xi32, #tpu.memory_space<vmem>> -> memref<1x8x896xi32, #tpu.memory_space<vmem>>
        %dma_wait3A_109 = tpu.memref_squeeze %dma_wait3A_108 : memref<1x8x896xi32, #tpu.memory_space<vmem>> -> memref<8x896xi32, #tpu.memory_space<vmem>>
        %dma_wait3A_110 = arith.constant 0 : i32
        %dma_wait3A_111 = arith.constant 0 : i32
        %dma_wait3A_112 = tpu.memref_slice %arg6[%add3A_82, %dma_wait3A_110, %dma_wait3A_111] : memref<448x8x896xi32, #tpu.memory_space<hbm>> -> memref<1x8x896xi32, #tpu.memory_space<hbm>>
        %dma_wait3A_113 = tpu.memref_squeeze %dma_wait3A_112 : memref<1x8x896xi32, #tpu.memory_space<hbm>> -> memref<8x896xi32, #tpu.memory_space<hbm>>
        %dma_wait3A_114 = arith.constant 0 : i32
        %dma_wait3A_115 = arith.constant 0 : i32
        %dma_wait3A_116 = tpu.memref_slice %arg6[%add3A_82, %dma_wait3A_114, %dma_wait3A_115] : memref<448x8x896xi32, #tpu.memory_space<hbm>> -> memref<1x8x896xi32, #tpu.memory_space<hbm>>
        %dma_wait3A_117 = tpu.memref_squeeze %dma_wait3A_116 : memref<1x8x896xi32, #tpu.memory_space<hbm>> -> memref<8x896xi32, #tpu.memory_space<hbm>>
        %dma_wait3A_118 = arith.constant 0 : i32
        %dma_wait3A_119 = arith.constant 0 : i32
        %dma_wait3A_120 = tpu.memref_slice %arg9[%run_scoped3A, %dma_wait3A_118, %dma_wait3A_119] : memref<2x8x896xi32, #tpu.memory_space<vmem>> -> memref<1x8x896xi32, #tpu.memory_space<vmem>>
        %dma_wait3A_121 = tpu.memref_squeeze %dma_wait3A_120 : memref<1x8x896xi32, #tpu.memory_space<vmem>> -> memref<8x896xi32, #tpu.memory_space<vmem>>
        tpu.wait_dma2 semaphore(%run_scoped3A_90 : memref<!tpu.dma_semaphore, #tpu.memory_space<semaphore_mem>>) src(%dma_wait3A_121 : memref<8x896xi32, #tpu.memory_space<vmem>>) dst(%dma_wait3A_117 : memref<8x896xi32, #tpu.memory_space<hbm>>)
        tpu.yield
      }) : () -> ()
    }
    %scan3A_34 = arith.constant 14 : i32
    %barrier3A = arith.constant 0 : index
    tpu.barrier barrier_id(%barrier3A)
    %scan3A_35 = arith.constant 0 : i32
    %scan3A_36 = arith.constant 12 : i32
    %scan3A_37 = arith.addi %scan3A_35, %scan3A_36 : i32
    %scan3A_38 = arith.constant 1 : i32
    scf.for %scan3A_75 = %scan3A_35 to %scan3A_37 step %scan3A_38  : i32 {
      %mul3A_76 = arith.constant 1 : i32
      %mul3A_77 = arith.muli %scan3A_75, %mul3A_76 : i32
      %add3A_78 = arith.constant 0 : i32
      %add3A_79 = arith.addi %add3A_78, %mul3A_77 : i32
      %mul3A_80 = arith.constant 24 : i32
      %mul3A_81 = arith.muli %select_n3A_30, %mul3A_80 : i32
      %mul3A_82 = arith.constant 2 : i32
      %mul3A_83 = arith.muli %mul3A_82, %add3A_79 : i32
      %add3A_84 = arith.addi %mul3A_81, %mul3A_83 : i32
      %dma_start3A = arith.constant 0 : i32
      %dma_start3A_85 = tpu.memref_slice %arg2[%select_n3A, %add3A_84, %dma_start3A] : memref<8x96x50176xf32, #tpu.memory_space<hbm>> -> memref<1x1x50176xf32, #tpu.memory_space<hbm>>
      %dma_start3A_86 = tpu.memref_squeeze %dma_start3A_85 : memref<1x1x50176xf32, #tpu.memory_space<hbm>> -> memref<50176xf32, #tpu.memory_space<hbm>>
      %dma_start3A_87 = arith.constant 0 : i32
      %dma_start3A_88 = tpu.memref_slice %arg2[%select_n3A, %add3A_84, %dma_start3A_87] : memref<8x96x50176xf32, #tpu.memory_space<hbm>> -> memref<1x1x50176xf32, #tpu.memory_space<hbm>>
      %dma_start3A_89 = tpu.memref_squeeze %dma_start3A_88 : memref<1x1x50176xf32, #tpu.memory_space<hbm>> -> memref<50176xf32, #tpu.memory_space<hbm>>
      tpu.enqueue_dma source(%dma_start3A_89 : memref<50176xf32, #tpu.memory_space<hbm>>) target(%arg7 : memref<50176xf32, #tpu.memory_space<vmem>>) target_semaphore(%arg17 : memref<!tpu.dma_semaphore, #tpu.memory_space<semaphore_mem>>)
      %add3A_90 = arith.constant 1 : i32
      %add3A_91 = arith.addi %add3A_84, %add3A_90 : i32
      %dma_start3A_92 = arith.constant 0 : i32
      %dma_start3A_93 = tpu.memref_slice %arg2[%select_n3A, %add3A_91, %dma_start3A_92] : memref<8x96x50176xf32, #tpu.memory_space<hbm>> -> memref<1x1x50176xf32, #tpu.memory_space<hbm>>
      %dma_start3A_94 = tpu.memref_squeeze %dma_start3A_93 : memref<1x1x50176xf32, #tpu.memory_space<hbm>> -> memref<50176xf32, #tpu.memory_space<hbm>>
      %dma_start3A_95 = arith.constant 0 : i32
      %dma_start3A_96 = tpu.memref_slice %arg2[%select_n3A, %add3A_91, %dma_start3A_95] : memref<8x96x50176xf32, #tpu.memory_space<hbm>> -> memref<1x1x50176xf32, #tpu.memory_space<hbm>>
      %dma_start3A_97 = tpu.memref_squeeze %dma_start3A_96 : memref<1x1x50176xf32, #tpu.memory_space<hbm>> -> memref<50176xf32, #tpu.memory_space<hbm>>
      tpu.enqueue_dma source(%dma_start3A_97 : memref<50176xf32, #tpu.memory_space<hbm>>) target(%arg8 : memref<50176xf32, #tpu.memory_space<vmem>>) target_semaphore(%arg17 : memref<!tpu.dma_semaphore, #tpu.memory_space<semaphore_mem>>)
      %dma_wait3A_98 = arith.constant 0 : i32
      %dma_wait3A_99 = arith.constant 0 : i32
      %dma_wait3A_100 = arith.constant 0 : i32
      %dma_wait3A_101 = tpu.memref_slice %arg2[%dma_wait3A_98, %dma_wait3A_99, %dma_wait3A_100] : memref<8x96x50176xf32, #tpu.memory_space<hbm>> -> memref<1x1x50176xf32, #tpu.memory_space<hbm>>
      %dma_wait3A_102 = tpu.memref_squeeze %dma_wait3A_101 : memref<1x1x50176xf32, #tpu.memory_space<hbm>> -> memref<50176xf32, #tpu.memory_space<hbm>>
      %dma_wait3A_103 = arith.constant 0 : i32
      %dma_wait3A_104 = tpu.memref_slice %arg2[%dma_wait3A_98, %dma_wait3A_99, %dma_wait3A_103] : memref<8x96x50176xf32, #tpu.memory_space<hbm>> -> memref<1x1x50176xf32, #tpu.memory_space<hbm>>
      %dma_wait3A_105 = tpu.memref_squeeze %dma_wait3A_104 : memref<1x1x50176xf32, #tpu.memory_space<hbm>> -> memref<50176xf32, #tpu.memory_space<hbm>>
      tpu.wait_dma2 semaphore(%arg17 : memref<!tpu.dma_semaphore, #tpu.memory_space<semaphore_mem>>) src(%dma_wait3A_105 : memref<50176xf32, #tpu.memory_space<hbm>>) dst(%arg7 : memref<50176xf32, #tpu.memory_space<vmem>>)
      %dma_wait3A_106 = arith.constant 0 : i32
      %dma_wait3A_107 = arith.constant 0 : i32
      %dma_wait3A_108 = arith.constant 0 : i32
      %dma_wait3A_109 = tpu.memref_slice %arg2[%dma_wait3A_106, %dma_wait3A_107, %dma_wait3A_108] : memref<8x96x50176xf32, #tpu.memory_space<hbm>> -> memref<1x1x50176xf32, #tpu.memory_space<hbm>>
      %dma_wait3A_110 = tpu.memref_squeeze %dma_wait3A_109 : memref<1x1x50176xf32, #tpu.memory_space<hbm>> -> memref<50176xf32, #tpu.memory_space<hbm>>
      %dma_wait3A_111 = arith.constant 0 : i32
      %dma_wait3A_112 = tpu.memref_slice %arg2[%dma_wait3A_106, %dma_wait3A_107, %dma_wait3A_111] : memref<8x96x50176xf32, #tpu.memory_space<hbm>> -> memref<1x1x50176xf32, #tpu.memory_space<hbm>>
      %dma_wait3A_113 = tpu.memref_squeeze %dma_wait3A_112 : memref<1x1x50176xf32, #tpu.memory_space<hbm>> -> memref<50176xf32, #tpu.memory_space<hbm>>
      tpu.wait_dma2 semaphore(%arg17 : memref<!tpu.dma_semaphore, #tpu.memory_space<semaphore_mem>>) src(%dma_wait3A_113 : memref<50176xf32, #tpu.memory_space<hbm>>) dst(%arg8 : memref<50176xf32, #tpu.memory_space<vmem>>)
      %mul3A_114 = arith.constant 56 : i32
      %mul3A_115 = arith.muli %select_n3A, %mul3A_114 : i32
      %dma_start3A_116 = arith.constant 0 : i32
      %dma_start3A_117 = arith.constant 0 : i32
      %dma_start3A_118 = arith.constant 0 : i32
      %dma_start3A_119 = tpu.memref_slice %arg9[%dma_start3A_116, %dma_start3A_117, %dma_start3A_118] : memref<2x8x896xi32, #tpu.memory_space<vmem>> -> memref<1x8x896xi32, #tpu.memory_space<vmem>>
      %dma_start3A_120 = tpu.memref_squeeze %dma_start3A_119 : memref<1x8x896xi32, #tpu.memory_space<vmem>> -> memref<8x896xi32, #tpu.memory_space<vmem>>
      %dma_start3A_121 = arith.constant 0 : i32
      %dma_start3A_122 = arith.constant 0 : i32
      %dma_start3A_123 = tpu.memref_slice %arg6[%mul3A_115, %dma_start3A_121, %dma_start3A_122] : memref<448x8x896xi32, #tpu.memory_space<hbm>> -> memref<1x8x896xi32, #tpu.memory_space<hbm>>
      %dma_start3A_124 = tpu.memref_squeeze %dma_start3A_123 : memref<1x8x896xi32, #tpu.memory_space<hbm>> -> memref<8x896xi32, #tpu.memory_space<hbm>>
      %dma_start3A_125 = arith.constant 0 : i32
      %dma_start3A_126 = arith.constant 0 : i32
      %dma_start3A_127 = tpu.memref_slice %arg9[%dma_start3A_116, %dma_start3A_125, %dma_start3A_126] : memref<2x8x896xi32, #tpu.memory_space<vmem>> -> memref<1x8x896xi32, #tpu.memory_space<vmem>>
      %dma_start3A_128 = tpu.memref_squeeze %dma_start3A_127 : memref<1x8x896xi32, #tpu.memory_space<vmem>> -> memref<8x896xi32, #tpu.memory_space<vmem>>
      %dma_start3A_129 = arith.constant 0 : i32
      %dma_start3A_130 = arith.constant 0 : i32
      %dma_start3A_131 = tpu.memref_slice %arg6[%mul3A_115, %dma_start3A_129, %dma_start3A_130] : memref<448x8x896xi32, #tpu.memory_space<hbm>> -> memref<1x8x896xi32, #tpu.memory_space<hbm>>
      %dma_start3A_132 = tpu.memref_squeeze %dma_start3A_131 : memref<1x8x896xi32, #tpu.memory_space<hbm>> -> memref<8x896xi32, #tpu.memory_space<hbm>>
      tpu.enqueue_dma source(%dma_start3A_132 : memref<8x896xi32, #tpu.memory_space<hbm>>) target(%dma_start3A_128 : memref<8x896xi32, #tpu.memory_space<vmem>>) target_semaphore(%arg13 : memref<!tpu.dma_semaphore, #tpu.memory_space<semaphore_mem>>)
      %scan3A_133 = arith.constant 0 : i32
      %scan3A_134 = arith.constant 28 : i32
      %scan3A_135 = arith.addi %scan3A_133, %scan3A_134 : i32
      %scan3A_136 = arith.constant 1 : i32
      scf.for %scan3A_138 = %scan3A_133 to %scan3A_135 step %scan3A_136  : i32 {
        %mul3A_139 = arith.constant 1 : i32
        %mul3A_140 = arith.muli %scan3A_138, %mul3A_139 : i32
        %add3A_141 = arith.constant 0 : i32
        %add3A_142 = arith.addi %add3A_141, %mul3A_140 : i32
        %mul3A_143 = arith.constant 2 : i32
        %mul3A_144 = arith.muli %add3A_142, %mul3A_143 : i32
        %add3A_145 = arith.constant 0 : i32
        %add3A_146 = arith.addi %mul3A_144, %add3A_145 : i32
        %lt3A_147 = arith.constant 55 : i32
        %lt3A_148 = arith.cmpi slt, %add3A_146, %lt3A_147 : i32
        %convert_element_type3A = arith.extui %lt3A_148 : i1 to i32
        %cond3A = arith.constant 0 : i32
        %cond3A_149 = arith.cmpi ne, %convert_element_type3A, %cond3A : i32
        scf.if %cond3A_149 {
          %mul3A_250 = arith.constant 56 : i32
          %mul3A_251 = arith.muli %select_n3A, %mul3A_250 : i32
          %add3A_252 = arith.addi %mul3A_251, %add3A_146 : i32
          %add3A_253 = arith.constant 1 : i32
          %add3A_254 = arith.addi %add3A_252, %add3A_253 : i32
          %dma_start3A_255 = arith.constant 1 : i32
          %dma_start3A_256 = arith.constant 0 : i32
          %dma_start3A_257 = arith.constant 0 : i32
          %dma_start3A_258 = tpu.memref_slice %arg9[%dma_start3A_255, %dma_start3A_256, %dma_start3A_257] : memref<2x8x896xi32, #tpu.memory_space<vmem>> -> memref<1x8x896xi32, #tpu.memory_space<vmem>>
          %dma_start3A_259 = tpu.memref_squeeze %dma_start3A_258 : memref<1x8x896xi32, #tpu.memory_space<vmem>> -> memref<8x896xi32, #tpu.memory_space<vmem>>
          %dma_start3A_260 = arith.constant 0 : i32
          %dma_start3A_261 = arith.constant 0 : i32
          %dma_start3A_262 = tpu.memref_slice %arg6[%add3A_254, %dma_start3A_260, %dma_start3A_261] : memref<448x8x896xi32, #tpu.memory_space<hbm>> -> memref<1x8x896xi32, #tpu.memory_space<hbm>>
          %dma_start3A_263 = tpu.memref_squeeze %dma_start3A_262 : memref<1x8x896xi32, #tpu.memory_space<hbm>> -> memref<8x896xi32, #tpu.memory_space<hbm>>
          %dma_start3A_264 = arith.constant 0 : i32
          %dma_start3A_265 = arith.constant 0 : i32
          %dma_start3A_266 = tpu.memref_slice %arg9[%dma_start3A_255, %dma_start3A_264, %dma_start3A_265] : memref<2x8x896xi32, #tpu.memory_space<vmem>> -> memref<1x8x896xi32, #tpu.memory_space<vmem>>
          %dma_start3A_267 = tpu.memref_squeeze %dma_start3A_266 : memref<1x8x896xi32, #tpu.memory_space<vmem>> -> memref<8x896xi32, #tpu.memory_space<vmem>>
          %dma_start3A_268 = arith.constant 0 : i32
          %dma_start3A_269 = arith.constant 0 : i32
          %dma_start3A_270 = tpu.memref_slice %arg6[%add3A_254, %dma_start3A_268, %dma_start3A_269] : memref<448x8x896xi32, #tpu.memory_space<hbm>> -> memref<1x8x896xi32, #tpu.memory_space<hbm>>
          %dma_start3A_271 = tpu.memref_squeeze %dma_start3A_270 : memref<1x8x896xi32, #tpu.memory_space<hbm>> -> memref<8x896xi32, #tpu.memory_space<hbm>>
          tpu.enqueue_dma source(%dma_start3A_271 : memref<8x896xi32, #tpu.memory_space<hbm>>) target(%dma_start3A_267 : memref<8x896xi32, #tpu.memory_space<vmem>>) target_semaphore(%arg14 : memref<!tpu.dma_semaphore, #tpu.memory_space<semaphore_mem>>)
        } else {
        }
        %dma_wait3A_150 = arith.constant 0 : i32
        %dma_wait3A_151 = arith.constant 0 : i32
        %dma_wait3A_152 = arith.constant 0 : i32
        %dma_wait3A_153 = arith.constant 0 : i32
        %dma_wait3A_154 = tpu.memref_slice %arg9[%dma_wait3A_151, %dma_wait3A_152, %dma_wait3A_153] : memref<2x8x896xi32, #tpu.memory_space<vmem>> -> memref<1x8x896xi32, #tpu.memory_space<vmem>>
        %dma_wait3A_155 = tpu.memref_squeeze %dma_wait3A_154 : memref<1x8x896xi32, #tpu.memory_space<vmem>> -> memref<8x896xi32, #tpu.memory_space<vmem>>
        %dma_wait3A_156 = arith.constant 0 : i32
        %dma_wait3A_157 = arith.constant 0 : i32
        %dma_wait3A_158 = tpu.memref_slice %arg6[%dma_wait3A_150, %dma_wait3A_156, %dma_wait3A_157] : memref<448x8x896xi32, #tpu.memory_space<hbm>> -> memref<1x8x896xi32, #tpu.memory_space<hbm>>
        %dma_wait3A_159 = tpu.memref_squeeze %dma_wait3A_158 : memref<1x8x896xi32, #tpu.memory_space<hbm>> -> memref<8x896xi32, #tpu.memory_space<hbm>>
        %dma_wait3A_160 = arith.constant 0 : i32
        %dma_wait3A_161 = arith.constant 0 : i32
        %dma_wait3A_162 = tpu.memref_slice %arg9[%dma_wait3A_151, %dma_wait3A_160, %dma_wait3A_161] : memref<2x8x896xi32, #tpu.memory_space<vmem>> -> memref<1x8x896xi32, #tpu.memory_space<vmem>>
        %dma_wait3A_163 = tpu.memref_squeeze %dma_wait3A_162 : memref<1x8x896xi32, #tpu.memory_space<vmem>> -> memref<8x896xi32, #tpu.memory_space<vmem>>
        %dma_wait3A_164 = arith.constant 0 : i32
        %dma_wait3A_165 = arith.constant 0 : i32
        %dma_wait3A_166 = tpu.memref_slice %arg6[%dma_wait3A_150, %dma_wait3A_164, %dma_wait3A_165] : memref<448x8x896xi32, #tpu.memory_space<hbm>> -> memref<1x8x896xi32, #tpu.memory_space<hbm>>
        %dma_wait3A_167 = tpu.memref_squeeze %dma_wait3A_166 : memref<1x8x896xi32, #tpu.memory_space<hbm>> -> memref<8x896xi32, #tpu.memory_space<hbm>>
        tpu.wait_dma2 semaphore(%arg13 : memref<!tpu.dma_semaphore, #tpu.memory_space<semaphore_mem>>) src(%dma_wait3A_167 : memref<8x896xi32, #tpu.memory_space<hbm>>) dst(%dma_wait3A_163 : memref<8x896xi32, #tpu.memory_space<vmem>>)
        %mul3A_168 = arith.constant 56 : i32
        %mul3A_169 = arith.muli %add3A_79, %mul3A_168 : i32
        %add3A_170 = arith.addi %mul3A_169, %add3A_146 : i32
        %ge3A = arith.constant 2 : i32
        %ge3A_171 = arith.cmpi sge, %add3A_170, %ge3A : i32
        %convert_element_type3A_172 = arith.extui %ge3A_171 : i1 to i32
        %cond3A_173 = arith.constant 0 : i32
        %cond3A_174 = arith.cmpi ne, %convert_element_type3A_172, %cond3A_173 : i32
        scf.if %cond3A_174 {
          %dma_wait3A_250 = arith.constant 0 : i32
          %dma_wait3A_251 = arith.constant 0 : i32
          %dma_wait3A_252 = arith.constant 0 : i32
          %dma_wait3A_253 = arith.constant 0 : i32
          %dma_wait3A_254 = tpu.memref_slice %arg10[%dma_wait3A_250, %dma_wait3A_252, %dma_wait3A_253] : memref<2x2x896xf32, #tpu.memory_space<vmem>> -> memref<1x2x896xf32, #tpu.memory_space<vmem>>
          %dma_wait3A_255 = tpu.memref_squeeze %dma_wait3A_254 : memref<1x2x896xf32, #tpu.memory_space<vmem>> -> memref<2x896xf32, #tpu.memory_space<vmem>>
          %dma_wait3A_256 = arith.constant 0 : i32
          %dma_wait3A_257 = arith.constant 0 : i32
          %dma_wait3A_258 = tpu.memref_slice %arg5[%dma_wait3A_251, %dma_wait3A_256, %dma_wait3A_257] : memref<8x96x50176xf32, #tpu.memory_space<hbm>> -> memref<1x2x896xf32, #tpu.memory_space<hbm>>
          %dma_wait3A_259 = tpu.memref_squeeze %dma_wait3A_258 : memref<1x2x896xf32, #tpu.memory_space<hbm>> -> memref<2x896xf32, #tpu.memory_space<hbm>>
          %dma_wait3A_260 = arith.constant 0 : i32
          %dma_wait3A_261 = arith.constant 0 : i32
          %dma_wait3A_262 = tpu.memref_slice %arg5[%dma_wait3A_251, %dma_wait3A_260, %dma_wait3A_261] : memref<8x96x50176xf32, #tpu.memory_space<hbm>> -> memref<1x2x896xf32, #tpu.memory_space<hbm>>
          %dma_wait3A_263 = tpu.memref_squeeze %dma_wait3A_262 : memref<1x2x896xf32, #tpu.memory_space<hbm>> -> memref<2x896xf32, #tpu.memory_space<hbm>>
          %dma_wait3A_264 = arith.constant 0 : i32
          %dma_wait3A_265 = arith.constant 0 : i32
          %dma_wait3A_266 = tpu.memref_slice %arg10[%dma_wait3A_250, %dma_wait3A_264, %dma_wait3A_265] : memref<2x2x896xf32, #tpu.memory_space<vmem>> -> memref<1x2x896xf32, #tpu.memory_space<vmem>>
          %dma_wait3A_267 = tpu.memref_squeeze %dma_wait3A_266 : memref<1x2x896xf32, #tpu.memory_space<vmem>> -> memref<2x896xf32, #tpu.memory_space<vmem>>
          tpu.wait_dma2 semaphore(%arg15 : memref<!tpu.dma_semaphore, #tpu.memory_space<semaphore_mem>>) src(%dma_wait3A_267 : memref<2x896xf32, #tpu.memory_space<vmem>>) dst(%dma_wait3A_263 : memref<2x896xf32, #tpu.memory_space<hbm>>)
        } else {
        }
        %scan3A_175 = arith.constant 0 : i32
        %scan3A_176 = arith.constant 56 : i32
        %scan3A_177 = arith.addi %scan3A_175, %scan3A_176 : i32
        %scan3A_178 = arith.constant 1 : i32
        scf.for %scan3A_250 = %scan3A_175 to %scan3A_177 step %scan3A_178  : i32 {
          %mul3A_251 = arith.constant 16 : i32
          %mul3A_252 = arith.muli %scan3A_250, %mul3A_251 : i32
          %add3A_253 = arith.constant 0 : i32
          %add3A_254 = arith.addi %add3A_253, %mul3A_252 : i32
          %add3A_255 = arith.constant 0 : i32
          %add3A_256 = arith.addi %add3A_254, %add3A_255 : i32
          %get3A = arith.constant 0 : i32
          %get3A_257 = arith.constant 0 : i32
          %get3A_258 = arith.index_cast %get3A : i32 to index
          %get3A_259 = arith.index_cast %get3A_257 : i32 to index
          %get3A_260 = arith.index_cast %add3A_256 : i32 to index
          %get3A_261 = tpu.vector_load %arg9[%get3A_258, %get3A_259, %get3A_260] {strides = array<i32>} : memref<2x8x896xi32, #tpu.memory_space<vmem>>, vector<16xi32>,
          %get3A_262 = arith.constant 0 : i32
          %get3A_263 = arith.constant 1 : i32
          %get3A_264 = arith.index_cast %get3A_262 : i32 to index
          %get3A_265 = arith.index_cast %get3A_263 : i32 to index
          %get3A_266 = arith.index_cast %add3A_256 : i32 to index
          %get3A_267 = tpu.vector_load %arg9[%get3A_264, %get3A_265, %get3A_266] {strides = array<i32>} : memref<2x8x896xi32, #tpu.memory_space<vmem>>, vector<16xi32>,
          %get3A_268 = arith.constant 0 : i32
          %get3A_269 = arith.constant 2 : i32
          %get3A_270 = arith.index_cast %get3A_268 : i32 to index
          %get3A_271 = arith.index_cast %get3A_269 : i32 to index
          %get3A_272 = arith.index_cast %add3A_256 : i32 to index
          %get3A_273 = tpu.vector_load %arg9[%get3A_270, %get3A_271, %get3A_272] {strides = array<i32>} : memref<2x8x896xi32, #tpu.memory_space<vmem>>, vector<16xi32>,
          %get3A_274 = arith.constant 0 : i32
          %get3A_275 = arith.constant 3 : i32
          %get3A_276 = arith.index_cast %get3A_274 : i32 to index
          %get3A_277 = arith.index_cast %get3A_275 : i32 to index
          %get3A_278 = arith.index_cast %add3A_256 : i32 to index
          %get3A_279 = tpu.vector_load %arg9[%get3A_276, %get3A_277, %get3A_278] {strides = array<i32>} : memref<2x8x896xi32, #tpu.memory_space<vmem>>, vector<16xi32>,
          %get3A_280 = arith.constant 0 : i32
          %get3A_281 = arith.constant 4 : i32
          %get3A_282 = arith.index_cast %get3A_280 : i32 to index
          %get3A_283 = arith.index_cast %get3A_281 : i32 to index
          %get3A_284 = arith.index_cast %add3A_256 : i32 to index
          %get3A_285 = tpu.vector_load %arg9[%get3A_282, %get3A_283, %get3A_284] {strides = array<i32>} : memref<2x8x896xi32, #tpu.memory_space<vmem>>, vector<16xi32>,
          %bitcast3A = vector.bitcast %get3A_285 : vector<16xi32> to vector<16xf32>
          %get3A_286 = arith.constant 0 : i32
          %get3A_287 = arith.constant 5 : i32
          %get3A_288 = arith.index_cast %get3A_286 : i32 to index
          %get3A_289 = arith.index_cast %get3A_287 : i32 to index
          %get3A_290 = arith.index_cast %add3A_256 : i32 to index
          %get3A_291 = tpu.vector_load %arg9[%get3A_288, %get3A_289, %get3A_290] {strides = array<i32>} : memref<2x8x896xi32, #tpu.memory_space<vmem>>, vector<16xi32>,
          %bitcast3A_292 = vector.bitcast %get3A_291 : vector<16xi32> to vector<16xf32>
          %get3A_293 = arith.constant 0 : i32
          %get3A_294 = arith.constant 6 : i32
          %get3A_295 = arith.index_cast %get3A_293 : i32 to index
          %get3A_296 = arith.index_cast %get3A_294 : i32 to index
          %get3A_297 = arith.index_cast %add3A_256 : i32 to index
          %get3A_298 = tpu.vector_load %arg9[%get3A_295, %get3A_296, %get3A_297] {strides = array<i32>} : memref<2x8x896xi32, #tpu.memory_space<vmem>>, vector<16xi32>,
          %bitcast3A_299 = vector.bitcast %get3A_298 : vector<16xi32> to vector<16xf32>
          %get3A_300 = arith.constant 0 : i32
          %get3A_301 = arith.constant 7 : i32
          %get3A_302 = arith.index_cast %get3A_300 : i32 to index
          %get3A_303 = arith.index_cast %get3A_301 : i32 to index
          %get3A_304 = arith.index_cast %add3A_256 : i32 to index
          %get3A_305 = tpu.vector_load %arg9[%get3A_302, %get3A_303, %get3A_304] {strides = array<i32>} : memref<2x8x896xi32, #tpu.memory_space<vmem>>, vector<16xi32>,
          %bitcast3A_306 = vector.bitcast %get3A_305 : vector<16xi32> to vector<16xf32>
          %gather3A = tpu.vector_load_idx %arg7[%get3A_261] : memref<50176xf32, #tpu.memory_space<vmem>>[vector<16xi32>], vector<16xf32>,
          %mul3A_307 = arith.mulf %gather3A, %bitcast3A : vector<16xf32>
          %gather3A_308 = tpu.vector_load_idx %arg7[%get3A_267] : memref<50176xf32, #tpu.memory_space<vmem>>[vector<16xi32>], vector<16xf32>,
          %mul3A_309 = arith.mulf %gather3A_308, %bitcast3A_292 : vector<16xf32>
          %add3A_310 = arith.addf %mul3A_307, %mul3A_309 : vector<16xf32>
          %gather3A_311 = tpu.vector_load_idx %arg7[%get3A_273] : memref<50176xf32, #tpu.memory_space<vmem>>[vector<16xi32>], vector<16xf32>,
          %mul3A_312 = arith.mulf %gather3A_311, %bitcast3A_299 : vector<16xf32>
          %add3A_313 = arith.addf %add3A_310, %mul3A_312 : vector<16xf32>
          %gather3A_314 = tpu.vector_load_idx %arg7[%get3A_279] : memref<50176xf32, #tpu.memory_space<vmem>>[vector<16xi32>], vector<16xf32>,
          %mul3A_315 = arith.mulf %gather3A_314, %bitcast3A_306 : vector<16xf32>
          %add3A_316 = arith.addf %add3A_313, %mul3A_315 : vector<16xf32>
          %swap3A = arith.constant 0 : i32
          %swap3A_317 = arith.constant 0 : i32
          %swap3A_318 = arith.index_cast %swap3A : i32 to index
          %swap3A_319 = arith.index_cast %swap3A_317 : i32 to index
          %swap3A_320 = arith.index_cast %add3A_256 : i32 to index
          %swap3A_321 = tpu.vector_load %arg10[%swap3A_318, %swap3A_319, %swap3A_320] {strides = array<i32>} : memref<2x2x896xf32, #tpu.memory_space<vmem>>, vector<16xf32>,
          tpu.vector_store %arg10[%swap3A_318, %swap3A_319, %swap3A_320], %add3A_316 {strides = array<i32>} : memref<2x2x896xf32, #tpu.memory_space<vmem>>, vector<16xf32>,
          %gather3A_322 = tpu.vector_load_idx %arg8[%get3A_261] : memref<50176xf32, #tpu.memory_space<vmem>>[vector<16xi32>], vector<16xf32>,
          %mul3A_323 = arith.mulf %gather3A_322, %bitcast3A : vector<16xf32>
          %gather3A_324 = tpu.vector_load_idx %arg8[%get3A_267] : memref<50176xf32, #tpu.memory_space<vmem>>[vector<16xi32>], vector<16xf32>,
          %mul3A_325 = arith.mulf %gather3A_324, %bitcast3A_292 : vector<16xf32>
          %add3A_326 = arith.addf %mul3A_323, %mul3A_325 : vector<16xf32>
          %gather3A_327 = tpu.vector_load_idx %arg8[%get3A_273] : memref<50176xf32, #tpu.memory_space<vmem>>[vector<16xi32>], vector<16xf32>,
          %mul3A_328 = arith.mulf %gather3A_327, %bitcast3A_299 : vector<16xf32>
          %add3A_329 = arith.addf %add3A_326, %mul3A_328 : vector<16xf32>
          %gather3A_330 = tpu.vector_load_idx %arg8[%get3A_279] : memref<50176xf32, #tpu.memory_space<vmem>>[vector<16xi32>], vector<16xf32>,
          %mul3A_331 = arith.mulf %gather3A_330, %bitcast3A_306 : vector<16xf32>
          %add3A_332 = arith.addf %add3A_329, %mul3A_331 : vector<16xf32>
          %swap3A_333 = arith.constant 0 : i32
          %swap3A_334 = arith.constant 1 : i32
          %swap3A_335 = arith.index_cast %swap3A_333 : i32 to index
          %swap3A_336 = arith.index_cast %swap3A_334 : i32 to index
          %swap3A_337 = arith.index_cast %add3A_256 : i32 to index
          %swap3A_338 = tpu.vector_load %arg10[%swap3A_335, %swap3A_336, %swap3A_337] {strides = array<i32>} : memref<2x2x896xf32, #tpu.memory_space<vmem>>, vector<16xf32>,
          tpu.vector_store %arg10[%swap3A_335, %swap3A_336, %swap3A_337], %add3A_332 {strides = array<i32>} : memref<2x2x896xf32, #tpu.memory_space<vmem>>, vector<16xf32>,
        }
        %scan3A_179 = arith.constant 56 : i32
        %mul3A_180 = arith.constant 896 : i32
        %mul3A_181 = arith.muli %add3A_146, %mul3A_180 : i32
        %dma_start3A_182 = arith.constant 0 : i32
        %dma_start3A_183 = arith.constant 0 : i32
        %dma_start3A_184 = arith.constant 0 : i32
        %dma_start3A_185 = tpu.memref_slice %arg10[%dma_start3A_182, %dma_start3A_183, %dma_start3A_184] : memref<2x2x896xf32, #tpu.memory_space<vmem>> -> memref<1x2x896xf32, #tpu.memory_space<vmem>>
        %dma_start3A_186 = tpu.memref_squeeze %dma_start3A_185 : memref<1x2x896xf32, #tpu.memory_space<vmem>> -> memref<2x896xf32, #tpu.memory_space<vmem>>
        %dma_start3A_187 = tpu.memref_slice %arg5[%select_n3A, %add3A_84, %mul3A_181] : memref<8x96x50176xf32, #tpu.memory_space<hbm>> -> memref<1x2x896xf32, #tpu.memory_space<hbm>>
        %dma_start3A_188 = tpu.memref_squeeze %dma_start3A_187 : memref<1x2x896xf32, #tpu.memory_space<hbm>> -> memref<2x896xf32, #tpu.memory_space<hbm>>
        %dma_start3A_189 = tpu.memref_slice %arg5[%select_n3A, %add3A_84, %mul3A_181] : memref<8x96x50176xf32, #tpu.memory_space<hbm>> -> memref<1x2x896xf32, #tpu.memory_space<hbm>>
        %dma_start3A_190 = tpu.memref_squeeze %dma_start3A_189 : memref<1x2x896xf32, #tpu.memory_space<hbm>> -> memref<2x896xf32, #tpu.memory_space<hbm>>
        %dma_start3A_191 = arith.constant 0 : i32
        %dma_start3A_192 = arith.constant 0 : i32
        %dma_start3A_193 = tpu.memref_slice %arg10[%dma_start3A_182, %dma_start3A_191, %dma_start3A_192] : memref<2x2x896xf32, #tpu.memory_space<vmem>> -> memref<1x2x896xf32, #tpu.memory_space<vmem>>
        %dma_start3A_194 = tpu.memref_squeeze %dma_start3A_193 : memref<1x2x896xf32, #tpu.memory_space<vmem>> -> memref<2x896xf32, #tpu.memory_space<vmem>>
        tpu.enqueue_dma source(%dma_start3A_194 : memref<2x896xf32, #tpu.memory_space<vmem>>) target(%dma_start3A_190 : memref<2x896xf32, #tpu.memory_space<hbm>>) target_semaphore(%arg15 : memref<!tpu.dma_semaphore, #tpu.memory_space<semaphore_mem>>)
        %mul3A_195 = arith.constant 2 : i32
        %mul3A_196 = arith.muli %add3A_142, %mul3A_195 : i32
        %add3A_197 = arith.constant 1 : i32
        %add3A_198 = arith.addi %mul3A_196, %add3A_197 : i32
        %lt3A_199 = arith.constant 55 : i32
        %lt3A_200 = arith.cmpi slt, %add3A_198, %lt3A_199 : i32
        %convert_element_type3A_201 = arith.extui %lt3A_200 : i1 to i32
        %cond3A_202 = arith.constant 0 : i32
        %cond3A_203 = arith.cmpi ne, %convert_element_type3A_201, %cond3A_202 : i32
        scf.if %cond3A_203 {
          %mul3A_250 = arith.constant 56 : i32
          %mul3A_251 = arith.muli %select_n3A, %mul3A_250 : i32
          %add3A_252 = arith.addi %mul3A_251, %add3A_198 : i32
          %add3A_253 = arith.constant 1 : i32
          %add3A_254 = arith.addi %add3A_252, %add3A_253 : i32
          %dma_start3A_255 = arith.constant 0 : i32
          %dma_start3A_256 = arith.constant 0 : i32
          %dma_start3A_257 = arith.constant 0 : i32
          %dma_start3A_258 = tpu.memref_slice %arg9[%dma_start3A_255, %dma_start3A_256, %dma_start3A_257] : memref<2x8x896xi32, #tpu.memory_space<vmem>> -> memref<1x8x896xi32, #tpu.memory_space<vmem>>
          %dma_start3A_259 = tpu.memref_squeeze %dma_start3A_258 : memref<1x8x896xi32, #tpu.memory_space<vmem>> -> memref<8x896xi32, #tpu.memory_space<vmem>>
          %dma_start3A_260 = arith.constant 0 : i32
          %dma_start3A_261 = arith.constant 0 : i32
          %dma_start3A_262 = tpu.memref_slice %arg6[%add3A_254, %dma_start3A_260, %dma_start3A_261] : memref<448x8x896xi32, #tpu.memory_space<hbm>> -> memref<1x8x896xi32, #tpu.memory_space<hbm>>
          %dma_start3A_263 = tpu.memref_squeeze %dma_start3A_262 : memref<1x8x896xi32, #tpu.memory_space<hbm>> -> memref<8x896xi32, #tpu.memory_space<hbm>>
          %dma_start3A_264 = arith.constant 0 : i32
          %dma_start3A_265 = arith.constant 0 : i32
          %dma_start3A_266 = tpu.memref_slice %arg9[%dma_start3A_255, %dma_start3A_264, %dma_start3A_265] : memref<2x8x896xi32, #tpu.memory_space<vmem>> -> memref<1x8x896xi32, #tpu.memory_space<vmem>>
          %dma_start3A_267 = tpu.memref_squeeze %dma_start3A_266 : memref<1x8x896xi32, #tpu.memory_space<vmem>> -> memref<8x896xi32, #tpu.memory_space<vmem>>
          %dma_start3A_268 = arith.constant 0 : i32
          %dma_start3A_269 = arith.constant 0 : i32
          %dma_start3A_270 = tpu.memref_slice %arg6[%add3A_254, %dma_start3A_268, %dma_start3A_269] : memref<448x8x896xi32, #tpu.memory_space<hbm>> -> memref<1x8x896xi32, #tpu.memory_space<hbm>>
          %dma_start3A_271 = tpu.memref_squeeze %dma_start3A_270 : memref<1x8x896xi32, #tpu.memory_space<hbm>> -> memref<8x896xi32, #tpu.memory_space<hbm>>
          tpu.enqueue_dma source(%dma_start3A_271 : memref<8x896xi32, #tpu.memory_space<hbm>>) target(%dma_start3A_267 : memref<8x896xi32, #tpu.memory_space<vmem>>) target_semaphore(%arg13 : memref<!tpu.dma_semaphore, #tpu.memory_space<semaphore_mem>>)
        } else {
        }
        %dma_wait3A_204 = arith.constant 0 : i32
        %dma_wait3A_205 = arith.constant 1 : i32
        %dma_wait3A_206 = arith.constant 0 : i32
        %dma_wait3A_207 = arith.constant 0 : i32
        %dma_wait3A_208 = tpu.memref_slice %arg9[%dma_wait3A_205, %dma_wait3A_206, %dma_wait3A_207] : memref<2x8x896xi32, #tpu.memory_space<vmem>> -> memref<1x8x896xi32, #tpu.memory_space<vmem>>
        %dma_wait3A_209 = tpu.memref_squeeze %dma_wait3A_208 : memref<1x8x896xi32, #tpu.memory_space<vmem>> -> memref<8x896xi32, #tpu.memory_space<vmem>>
        %dma_wait3A_210 = arith.constant 0 : i32
        %dma_wait3A_211 = arith.constant 0 : i32
        %dma_wait3A_212 = tpu.memref_slice %arg6[%dma_wait3A_204, %dma_wait3A_210, %dma_wait3A_211] : memref<448x8x896xi32, #tpu.memory_space<hbm>> -> memref<1x8x896xi32, #tpu.memory_space<hbm>>
        %dma_wait3A_213 = tpu.memref_squeeze %dma_wait3A_212 : memref<1x8x896xi32, #tpu.memory_space<hbm>> -> memref<8x896xi32, #tpu.memory_space<hbm>>
        %dma_wait3A_214 = arith.constant 0 : i32
        %dma_wait3A_215 = arith.constant 0 : i32
        %dma_wait3A_216 = tpu.memref_slice %arg9[%dma_wait3A_205, %dma_wait3A_214, %dma_wait3A_215] : memref<2x8x896xi32, #tpu.memory_space<vmem>> -> memref<1x8x896xi32, #tpu.memory_space<vmem>>
        %dma_wait3A_217 = tpu.memref_squeeze %dma_wait3A_216 : memref<1x8x896xi32, #tpu.memory_space<vmem>> -> memref<8x896xi32, #tpu.memory_space<vmem>>
        %dma_wait3A_218 = arith.constant 0 : i32
        %dma_wait3A_219 = arith.constant 0 : i32
        %dma_wait3A_220 = tpu.memref_slice %arg6[%dma_wait3A_204, %dma_wait3A_218, %dma_wait3A_219] : memref<448x8x896xi32, #tpu.memory_space<hbm>> -> memref<1x8x896xi32, #tpu.memory_space<hbm>>
        %dma_wait3A_221 = tpu.memref_squeeze %dma_wait3A_220 : memref<1x8x896xi32, #tpu.memory_space<hbm>> -> memref<8x896xi32, #tpu.memory_space<hbm>>
        tpu.wait_dma2 semaphore(%arg14 : memref<!tpu.dma_semaphore, #tpu.memory_space<semaphore_mem>>) src(%dma_wait3A_221 : memref<8x896xi32, #tpu.memory_space<hbm>>) dst(%dma_wait3A_217 : memref<8x896xi32, #tpu.memory_space<vmem>>)
        %mul3A_222 = arith.constant 56 : i32
        %mul3A_223 = arith.muli %add3A_79, %mul3A_222 : i32
        %add3A_224 = arith.addi %mul3A_223, %add3A_198 : i32
        %ge3A_225 = arith.constant 2 : i32
        %ge3A_226 = arith.cmpi sge, %add3A_224, %ge3A_225 : i32
        %convert_element_type3A_227 = arith.extui %ge3A_226 : i1 to i32
        %cond3A_228 = arith.constant 0 : i32
        %cond3A_229 = arith.cmpi ne, %convert_element_type3A_227, %cond3A_228 : i32
        scf.if %cond3A_229 {
          %dma_wait3A_250 = arith.constant 1 : i32
          %dma_wait3A_251 = arith.constant 0 : i32
          %dma_wait3A_252 = arith.constant 0 : i32
          %dma_wait3A_253 = arith.constant 0 : i32
          %dma_wait3A_254 = tpu.memref_slice %arg10[%dma_wait3A_250, %dma_wait3A_252, %dma_wait3A_253] : memref<2x2x896xf32, #tpu.memory_space<vmem>> -> memref<1x2x896xf32, #tpu.memory_space<vmem>>
          %dma_wait3A_255 = tpu.memref_squeeze %dma_wait3A_254 : memref<1x2x896xf32, #tpu.memory_space<vmem>> -> memref<2x896xf32, #tpu.memory_space<vmem>>
          %dma_wait3A_256 = arith.constant 0 : i32
          %dma_wait3A_257 = arith.constant 0 : i32
          %dma_wait3A_258 = tpu.memref_slice %arg5[%dma_wait3A_251, %dma_wait3A_256, %dma_wait3A_257] : memref<8x96x50176xf32, #tpu.memory_space<hbm>> -> memref<1x2x896xf32, #tpu.memory_space<hbm>>
          %dma_wait3A_259 = tpu.memref_squeeze %dma_wait3A_258 : memref<1x2x896xf32, #tpu.memory_space<hbm>> -> memref<2x896xf32, #tpu.memory_space<hbm>>
          %dma_wait3A_260 = arith.constant 0 : i32
          %dma_wait3A_261 = arith.constant 0 : i32
          %dma_wait3A_262 = tpu.memref_slice %arg5[%dma_wait3A_251, %dma_wait3A_260, %dma_wait3A_261] : memref<8x96x50176xf32, #tpu.memory_space<hbm>> -> memref<1x2x896xf32, #tpu.memory_space<hbm>>
          %dma_wait3A_263 = tpu.memref_squeeze %dma_wait3A_262 : memref<1x2x896xf32, #tpu.memory_space<hbm>> -> memref<2x896xf32, #tpu.memory_space<hbm>>
          %dma_wait3A_264 = arith.constant 0 : i32
          %dma_wait3A_265 = arith.constant 0 : i32
          %dma_wait3A_266 = tpu.memref_slice %arg10[%dma_wait3A_250, %dma_wait3A_264, %dma_wait3A_265] : memref<2x2x896xf32, #tpu.memory_space<vmem>> -> memref<1x2x896xf32, #tpu.memory_space<vmem>>
          %dma_wait3A_267 = tpu.memref_squeeze %dma_wait3A_266 : memref<1x2x896xf32, #tpu.memory_space<vmem>> -> memref<2x896xf32, #tpu.memory_space<vmem>>
          tpu.wait_dma2 semaphore(%arg16 : memref<!tpu.dma_semaphore, #tpu.memory_space<semaphore_mem>>) src(%dma_wait3A_267 : memref<2x896xf32, #tpu.memory_space<vmem>>) dst(%dma_wait3A_263 : memref<2x896xf32, #tpu.memory_space<hbm>>)
        } else {
        }
        %scan3A_230 = arith.constant 0 : i32
        %scan3A_231 = arith.constant 56 : i32
        %scan3A_232 = arith.addi %scan3A_230, %scan3A_231 : i32
        %scan3A_233 = arith.constant 1 : i32
        scf.for %scan3A_250 = %scan3A_230 to %scan3A_232 step %scan3A_233  : i32 {
          %mul3A_251 = arith.constant 16 : i32
          %mul3A_252 = arith.muli %scan3A_250, %mul3A_251 : i32
          %add3A_253 = arith.constant 0 : i32
          %add3A_254 = arith.addi %add3A_253, %mul3A_252 : i32
          %add3A_255 = arith.constant 0 : i32
          %add3A_256 = arith.addi %add3A_254, %add3A_255 : i32
          %get3A = arith.constant 1 : i32
          %get3A_257 = arith.constant 0 : i32
          %get3A_258 = arith.index_cast %get3A : i32 to index
          %get3A_259 = arith.index_cast %get3A_257 : i32 to index
          %get3A_260 = arith.index_cast %add3A_256 : i32 to index
          %get3A_261 = tpu.vector_load %arg9[%get3A_258, %get3A_259, %get3A_260] {strides = array<i32>} : memref<2x8x896xi32, #tpu.memory_space<vmem>>, vector<16xi32>,
          %get3A_262 = arith.constant 1 : i32
          %get3A_263 = arith.constant 1 : i32
          %get3A_264 = arith.index_cast %get3A_262 : i32 to index
          %get3A_265 = arith.index_cast %get3A_263 : i32 to index
          %get3A_266 = arith.index_cast %add3A_256 : i32 to index
          %get3A_267 = tpu.vector_load %arg9[%get3A_264, %get3A_265, %get3A_266] {strides = array<i32>} : memref<2x8x896xi32, #tpu.memory_space<vmem>>, vector<16xi32>,
          %get3A_268 = arith.constant 1 : i32
          %get3A_269 = arith.constant 2 : i32
          %get3A_270 = arith.index_cast %get3A_268 : i32 to index
          %get3A_271 = arith.index_cast %get3A_269 : i32 to index
          %get3A_272 = arith.index_cast %add3A_256 : i32 to index
          %get3A_273 = tpu.vector_load %arg9[%get3A_270, %get3A_271, %get3A_272] {strides = array<i32>} : memref<2x8x896xi32, #tpu.memory_space<vmem>>, vector<16xi32>,
          %get3A_274 = arith.constant 1 : i32
          %get3A_275 = arith.constant 3 : i32
          %get3A_276 = arith.index_cast %get3A_274 : i32 to index
          %get3A_277 = arith.index_cast %get3A_275 : i32 to index
          %get3A_278 = arith.index_cast %add3A_256 : i32 to index
          %get3A_279 = tpu.vector_load %arg9[%get3A_276, %get3A_277, %get3A_278] {strides = array<i32>} : memref<2x8x896xi32, #tpu.memory_space<vmem>>, vector<16xi32>,
          %get3A_280 = arith.constant 1 : i32
          %get3A_281 = arith.constant 4 : i32
          %get3A_282 = arith.index_cast %get3A_280 : i32 to index
          %get3A_283 = arith.index_cast %get3A_281 : i32 to index
          %get3A_284 = arith.index_cast %add3A_256 : i32 to index
          %get3A_285 = tpu.vector_load %arg9[%get3A_282, %get3A_283, %get3A_284] {strides = array<i32>} : memref<2x8x896xi32, #tpu.memory_space<vmem>>, vector<16xi32>,
          %bitcast3A = vector.bitcast %get3A_285 : vector<16xi32> to vector<16xf32>
          %get3A_286 = arith.constant 1 : i32
          %get3A_287 = arith.constant 5 : i32
          %get3A_288 = arith.index_cast %get3A_286 : i32 to index
          %get3A_289 = arith.index_cast %get3A_287 : i32 to index
          %get3A_290 = arith.index_cast %add3A_256 : i32 to index
          %get3A_291 = tpu.vector_load %arg9[%get3A_288, %get3A_289, %get3A_290] {strides = array<i32>} : memref<2x8x896xi32, #tpu.memory_space<vmem>>, vector<16xi32>,
          %bitcast3A_292 = vector.bitcast %get3A_291 : vector<16xi32> to vector<16xf32>
          %get3A_293 = arith.constant 1 : i32
          %get3A_294 = arith.constant 6 : i32
          %get3A_295 = arith.index_cast %get3A_293 : i32 to index
          %get3A_296 = arith.index_cast %get3A_294 : i32 to index
          %get3A_297 = arith.index_cast %add3A_256 : i32 to index
          %get3A_298 = tpu.vector_load %arg9[%get3A_295, %get3A_296, %get3A_297] {strides = array<i32>} : memref<2x8x896xi32, #tpu.memory_space<vmem>>, vector<16xi32>,
          %bitcast3A_299 = vector.bitcast %get3A_298 : vector<16xi32> to vector<16xf32>
          %get3A_300 = arith.constant 1 : i32
          %get3A_301 = arith.constant 7 : i32
          %get3A_302 = arith.index_cast %get3A_300 : i32 to index
          %get3A_303 = arith.index_cast %get3A_301 : i32 to index
          %get3A_304 = arith.index_cast %add3A_256 : i32 to index
          %get3A_305 = tpu.vector_load %arg9[%get3A_302, %get3A_303, %get3A_304] {strides = array<i32>} : memref<2x8x896xi32, #tpu.memory_space<vmem>>, vector<16xi32>,
          %bitcast3A_306 = vector.bitcast %get3A_305 : vector<16xi32> to vector<16xf32>
          %gather3A = tpu.vector_load_idx %arg7[%get3A_261] : memref<50176xf32, #tpu.memory_space<vmem>>[vector<16xi32>], vector<16xf32>,
          %mul3A_307 = arith.mulf %gather3A, %bitcast3A : vector<16xf32>
          %gather3A_308 = tpu.vector_load_idx %arg7[%get3A_267] : memref<50176xf32, #tpu.memory_space<vmem>>[vector<16xi32>], vector<16xf32>,
          %mul3A_309 = arith.mulf %gather3A_308, %bitcast3A_292 : vector<16xf32>
          %add3A_310 = arith.addf %mul3A_307, %mul3A_309 : vector<16xf32>
          %gather3A_311 = tpu.vector_load_idx %arg7[%get3A_273] : memref<50176xf32, #tpu.memory_space<vmem>>[vector<16xi32>], vector<16xf32>,
          %mul3A_312 = arith.mulf %gather3A_311, %bitcast3A_299 : vector<16xf32>
          %add3A_313 = arith.addf %add3A_310, %mul3A_312 : vector<16xf32>
          %gather3A_314 = tpu.vector_load_idx %arg7[%get3A_279] : memref<50176xf32, #tpu.memory_space<vmem>>[vector<16xi32>], vector<16xf32>,
          %mul3A_315 = arith.mulf %gather3A_314, %bitcast3A_306 : vector<16xf32>
          %add3A_316 = arith.addf %add3A_313, %mul3A_315 : vector<16xf32>
          %swap3A = arith.constant 1 : i32
          %swap3A_317 = arith.constant 0 : i32
          %swap3A_318 = arith.index_cast %swap3A : i32 to index
          %swap3A_319 = arith.index_cast %swap3A_317 : i32 to index
          %swap3A_320 = arith.index_cast %add3A_256 : i32 to index
          %swap3A_321 = tpu.vector_load %arg10[%swap3A_318, %swap3A_319, %swap3A_320] {strides = array<i32>} : memref<2x2x896xf32, #tpu.memory_space<vmem>>, vector<16xf32>,
          tpu.vector_store %arg10[%swap3A_318, %swap3A_319, %swap3A_320], %add3A_316 {strides = array<i32>} : memref<2x2x896xf32, #tpu.memory_space<vmem>>, vector<16xf32>,
          %gather3A_322 = tpu.vector_load_idx %arg8[%get3A_261] : memref<50176xf32, #tpu.memory_space<vmem>>[vector<16xi32>], vector<16xf32>,
          %mul3A_323 = arith.mulf %gather3A_322, %bitcast3A : vector<16xf32>
          %gather3A_324 = tpu.vector_load_idx %arg8[%get3A_267] : memref<50176xf32, #tpu.memory_space<vmem>>[vector<16xi32>], vector<16xf32>,
          %mul3A_325 = arith.mulf %gather3A_324, %bitcast3A_292 : vector<16xf32>
          %add3A_326 = arith.addf %mul3A_323, %mul3A_325 : vector<16xf32>
          %gather3A_327 = tpu.vector_load_idx %arg8[%get3A_273] : memref<50176xf32, #tpu.memory_space<vmem>>[vector<16xi32>], vector<16xf32>,
          %mul3A_328 = arith.mulf %gather3A_327, %bitcast3A_299 : vector<16xf32>
          %add3A_329 = arith.addf %add3A_326, %mul3A_328 : vector<16xf32>
          %gather3A_330 = tpu.vector_load_idx %arg8[%get3A_279] : memref<50176xf32, #tpu.memory_space<vmem>>[vector<16xi32>], vector<16xf32>,
          %mul3A_331 = arith.mulf %gather3A_330, %bitcast3A_306 : vector<16xf32>
          %add3A_332 = arith.addf %add3A_329, %mul3A_331 : vector<16xf32>
          %swap3A_333 = arith.constant 1 : i32
          %swap3A_334 = arith.constant 1 : i32
          %swap3A_335 = arith.index_cast %swap3A_333 : i32 to index
          %swap3A_336 = arith.index_cast %swap3A_334 : i32 to index
          %swap3A_337 = arith.index_cast %add3A_256 : i32 to index
          %swap3A_338 = tpu.vector_load %arg10[%swap3A_335, %swap3A_336, %swap3A_337] {strides = array<i32>} : memref<2x2x896xf32, #tpu.memory_space<vmem>>, vector<16xf32>,
          tpu.vector_store %arg10[%swap3A_335, %swap3A_336, %swap3A_337], %add3A_332 {strides = array<i32>} : memref<2x2x896xf32, #tpu.memory_space<vmem>>, vector<16xf32>,
        }
        %scan3A_234 = arith.constant 56 : i32
        %mul3A_235 = arith.constant 896 : i32
        %mul3A_236 = arith.muli %add3A_198, %mul3A_235 : i32
        %dma_start3A_237 = arith.constant 1 : i32
        %dma_start3A_238 = arith.constant 0 : i32
        %dma_start3A_239 = arith.constant 0 : i32
        %dma_start3A_240 = tpu.memref_slice %arg10[%dma_start3A_237, %dma_start3A_238, %dma_start3A_239] : memref<2x2x896xf32, #tpu.memory_space<vmem>> -> memref<1x2x896xf32, #tpu.memory_space<vmem>>
        %dma_start3A_241 = tpu.memref_squeeze %dma_start3A_240 : memref<1x2x896xf32, #tpu.memory_space<vmem>> -> memref<2x896xf32, #tpu.memory_space<vmem>>
        %dma_start3A_242 = tpu.memref_slice %arg5[%select_n3A, %add3A_84, %mul3A_236] : memref<8x96x50176xf32, #tpu.memory_space<hbm>> -> memref<1x2x896xf32, #tpu.memory_space<hbm>>
        %dma_start3A_243 = tpu.memref_squeeze %dma_start3A_242 : memref<1x2x896xf32, #tpu.memory_space<hbm>> -> memref<2x896xf32, #tpu.memory_space<hbm>>
        %dma_start3A_244 = tpu.memref_slice %arg5[%select_n3A, %add3A_84, %mul3A_236] : memref<8x96x50176xf32, #tpu.memory_space<hbm>> -> memref<1x2x896xf32, #tpu.memory_space<hbm>>
        %dma_start3A_245 = tpu.memref_squeeze %dma_start3A_244 : memref<1x2x896xf32, #tpu.memory_space<hbm>> -> memref<2x896xf32, #tpu.memory_space<hbm>>
        %dma_start3A_246 = arith.constant 0 : i32
        %dma_start3A_247 = arith.constant 0 : i32
        %dma_start3A_248 = tpu.memref_slice %arg10[%dma_start3A_237, %dma_start3A_246, %dma_start3A_247] : memref<2x2x896xf32, #tpu.memory_space<vmem>> -> memref<1x2x896xf32, #tpu.memory_space<vmem>>
        %dma_start3A_249 = tpu.memref_squeeze %dma_start3A_248 : memref<1x2x896xf32, #tpu.memory_space<vmem>> -> memref<2x896xf32, #tpu.memory_space<vmem>>
        tpu.enqueue_dma source(%dma_start3A_249 : memref<2x896xf32, #tpu.memory_space<vmem>>) target(%dma_start3A_245 : memref<2x896xf32, #tpu.memory_space<hbm>>) target_semaphore(%arg16 : memref<!tpu.dma_semaphore, #tpu.memory_space<semaphore_mem>>)
      }
      %scan3A_137 = arith.constant 28 : i32
    }
    %scan3A_39 = arith.constant 12 : i32
    %dma_wait3A = arith.constant 0 : i32
    %dma_wait3A_40 = arith.constant 0 : i32
    %dma_wait3A_41 = arith.constant 0 : i32
    %dma_wait3A_42 = arith.constant 0 : i32
    %dma_wait3A_43 = tpu.memref_slice %arg10[%dma_wait3A, %dma_wait3A_41, %dma_wait3A_42] : memref<2x2x896xf32, #tpu.memory_space<vmem>> -> memref<1x2x896xf32, #tpu.memory_space<vmem>>
    %dma_wait3A_44 = tpu.memref_squeeze %dma_wait3A_43 : memref<1x2x896xf32, #tpu.memory_space<vmem>> -> memref<2x896xf32, #tpu.memory_space<vmem>>
    %dma_wait3A_45 = arith.constant 0 : i32
    %dma_wait3A_46 = arith.constant 0 : i32
    %dma_wait3A_47 = tpu.memref_slice %arg5[%dma_wait3A_40, %dma_wait3A_45, %dma_wait3A_46] : memref<8x96x50176xf32, #tpu.memory_space<hbm>> -> memref<1x2x896xf32, #tpu.memory_space<hbm>>
    %dma_wait3A_48 = tpu.memref_squeeze %dma_wait3A_47 : memref<1x2x896xf32, #tpu.memory_space<hbm>> -> memref<2x896xf32, #tpu.memory_space<hbm>>
    %dma_wait3A_49 = arith.constant 0 : i32
    %dma_wait3A_50 = arith.constant 0 : i32
    %dma_wait3A_51 = tpu.memref_slice %arg5[%dma_wait3A_40, %dma_wait3A_49, %dma_wait3A_50] : memref<8x96x50176xf32, #tpu.memory_space<hbm>> -> memref<1x2x896xf32, #tpu.memory_space<hbm>>
    %dma_wait3A_52 = tpu.memref_squeeze %dma_wait3A_51 : memref<1x2x896xf32, #tpu.memory_space<hbm>> -> memref<2x896xf32, #tpu.memory_space<hbm>>
    %dma_wait3A_53 = arith.constant 0 : i32
    %dma_wait3A_54 = arith.constant 0 : i32
    %dma_wait3A_55 = tpu.memref_slice %arg10[%dma_wait3A, %dma_wait3A_53, %dma_wait3A_54] : memref<2x2x896xf32, #tpu.memory_space<vmem>> -> memref<1x2x896xf32, #tpu.memory_space<vmem>>
    %dma_wait3A_56 = tpu.memref_squeeze %dma_wait3A_55 : memref<1x2x896xf32, #tpu.memory_space<vmem>> -> memref<2x896xf32, #tpu.memory_space<vmem>>
    tpu.wait_dma2 semaphore(%arg15 : memref<!tpu.dma_semaphore, #tpu.memory_space<semaphore_mem>>) src(%dma_wait3A_56 : memref<2x896xf32, #tpu.memory_space<vmem>>) dst(%dma_wait3A_52 : memref<2x896xf32, #tpu.memory_space<hbm>>)
    %dma_wait3A_57 = arith.constant 1 : i32
    %dma_wait3A_58 = arith.constant 0 : i32
    %dma_wait3A_59 = arith.constant 0 : i32
    %dma_wait3A_60 = arith.constant 0 : i32
    %dma_wait3A_61 = tpu.memref_slice %arg10[%dma_wait3A_57, %dma_wait3A_59, %dma_wait3A_60] : memref<2x2x896xf32, #tpu.memory_space<vmem>> -> memref<1x2x896xf32, #tpu.memory_space<vmem>>
    %dma_wait3A_62 = tpu.memref_squeeze %dma_wait3A_61 : memref<1x2x896xf32, #tpu.memory_space<vmem>> -> memref<2x896xf32, #tpu.memory_space<vmem>>
    %dma_wait3A_63 = arith.constant 0 : i32
    %dma_wait3A_64 = arith.constant 0 : i32
    %dma_wait3A_65 = tpu.memref_slice %arg5[%dma_wait3A_58, %dma_wait3A_63, %dma_wait3A_64] : memref<8x96x50176xf32, #tpu.memory_space<hbm>> -> memref<1x2x896xf32, #tpu.memory_space<hbm>>
    %dma_wait3A_66 = tpu.memref_squeeze %dma_wait3A_65 : memref<1x2x896xf32, #tpu.memory_space<hbm>> -> memref<2x896xf32, #tpu.memory_space<hbm>>
    %dma_wait3A_67 = arith.constant 0 : i32
    %dma_wait3A_68 = arith.constant 0 : i32
    %dma_wait3A_69 = tpu.memref_slice %arg5[%dma_wait3A_58, %dma_wait3A_67, %dma_wait3A_68] : memref<8x96x50176xf32, #tpu.memory_space<hbm>> -> memref<1x2x896xf32, #tpu.memory_space<hbm>>
    %dma_wait3A_70 = tpu.memref_squeeze %dma_wait3A_69 : memref<1x2x896xf32, #tpu.memory_space<hbm>> -> memref<2x896xf32, #tpu.memory_space<hbm>>
    %dma_wait3A_71 = arith.constant 0 : i32
    %dma_wait3A_72 = arith.constant 0 : i32
    %dma_wait3A_73 = tpu.memref_slice %arg10[%dma_wait3A_57, %dma_wait3A_71, %dma_wait3A_72] : memref<2x2x896xf32, #tpu.memory_space<vmem>> -> memref<1x2x896xf32, #tpu.memory_space<vmem>>
    %dma_wait3A_74 = tpu.memref_squeeze %dma_wait3A_73 : memref<1x2x896xf32, #tpu.memory_space<vmem>> -> memref<2x896xf32, #tpu.memory_space<vmem>>
    tpu.wait_dma2 semaphore(%arg16 : memref<!tpu.dma_semaphore, #tpu.memory_space<semaphore_mem>>) src(%dma_wait3A_74 : memref<2x896xf32, #tpu.memory_space<vmem>>) dst(%dma_wait3A_70 : memref<2x896xf32, #tpu.memory_space<hbm>>)
    return
  }
}

</mosaic_0001>

<sc_bundles>
// kernel: kernel.3.cloned.1.call-start
scs
__scs_entry_jumppad:
0x0: {  	(pc) =	sbr.rel $0x88, $3  }
0x1: {  	(tag) =	ssettag $0x0;
	lr =	simm.s32 $0x1  }
0x2: {  	[smem:$0x3F9F] =	sst lr;
	_ =	strace $0xD0000000  }
0x3: {  	_ = 	snop  }
0x4: {  	_ = 	snop  }
0x5: {  	_ = 	snop  }
0x6: {  	_ = 	snop  }
0x7: {  	_ = 	snop  }
__scs_overlays_trampoline_lowered:
0x8: {  	[smem:$0x3FAE] =	sst s0  }
0x9: {  	[smem:$0x3FAF] =	sst s1  }
0xa: {  	[smem:$0x3FB0] =	sst s2  }
0xb: {  	[smem:$0x3FB1] =	sst s3  }
0xc: {  	[smem:$0x3FB2] =	sst s4  }
0xd: {  	[smem:$0x3FB3] =	sst s5  }
0xe: {  	[smem:$0x3FB4] =	sst s6  }
0xf: {  	[smem:$0x3FB5] =	sst s7  }
0x10: {  	[smem:$0x3FB6] =	sst s8  }
0x11: {  	[smem:$0x3FB7] =	sst s9;
	s0 =	simm.s32 @!p0 $0x0  }
0x12: {  	s1 =	sld [smem:$0x3F9D];
	s0 =	simm.s32 @p0 $0x1  }
0x13: {  	[smem:$0x3FB8] =	sst s0;
	s0 =	simm.s32 @!p1 $0x0  }
0x14: {  	s2 =	sld [smem:$0x3F9C];
	s0 =	simm.s32 @p1 $0x1  }
0x15: {  	[smem:$0x3FB9] =	sst s0;
	s0 =	simm.s32 @!p2 $0x0  }
0x16: {  	s3 =	sld [smem:$0x3FDB];
	s0 =	simm.s32 @p2 $0x1  }
0x17: {  	s4 =	simm.s32 $0x1BF5;
	[smem:$0x3FBB] =	sst s0  }
0x18: {  	s0 =	sld [smem:$0x3F9E];
	_ =	swait.ge [sflag:s4], $0x0  }
0x19: {  	s7 =	sld [smem:$0x3F9F]  }
0x1a: {  	s8 =	sadd.s32 $0xFFFFE003, lr  }
0x1b: {  	s9 =	sadd.s32 $0xFFFFFEF7, lr;
	s5 =	simm.s32 $0xFFFFFFFF;
	p2 =	slt.u32 s8, $0xFFFFF086  }
0x1c: {  	p1 =	slt.u32 s9, $0xF7A;
	s5 =	simm.s32 @!p2 $0x0  }
0x1d: {  	s5 =	simm.s32 @p1 $0x1;
	p0 =	seq.s32 s7, s2  }
0x1e: {  	s7 =	smul.u32 @!p0 $0xF7A, s2;
	p2 =	seq.s32 @!p0 s5, $0x0  }
0x1f: {  	s9 =	smul.u32 $0xF7A, s1;
	s8 =	simm.s32 @!p0 $0x1BF5;
	p2 =	por !p2, p0  }
0x20: {  	[sflag:s8] =	ssyncset.s32 @!p0 $0xFFFFF086;
	s6 =	sadd.s32 @!p0 s3, s7;
	s7 =	simm.s32 @!p0 $0x108  }
0x21: {  	s3 =	sadd.s32 s3, s9;
	s6 =	sadd.s32 @!p0 $0x88, s6;
	s7 =	simm.s32 @p2 $0x1082  }
0x22: {  	[simem:s7], [sflag:s8] =	dma.local @!p0 [hbm:s6], $0xF7A  }
0x23: {  	s9 =	sor.u32 $0xD0000000, s2;
	s6 =	simm.s32 $0x108;
	_ =	swait.ge @!p0 [sflag:s8], $0x0  }
0x24: {  	s3 =	sadd.s32 $0x88, s3;
	s6 =	simm.s32 @!p1 $0x1082;
	[sflag:s4] =	ssyncset.s32 $0xFFFFF086  }
0x25: {  	[simem:s6], [sflag:s4] =	dma.local [hbm:s3], $0xF7A  }
0x26: {  	[smem:$0x3F9F] =	sst s1;
	(tag) =	ssettag s2;
	_ =	strace s9  }
0x27: {  	s1 =	sld [smem:$0x3FAF]  }
0x28: {  	s2 =	sld [smem:$0x3FB0]  }
0x29: {  	s4 =	sld [smem:$0x3FB2]  }
0x2a: {  	p0 =	seq.s32 s5, $0x0;
	s5 =	sld [smem:$0x3FB3]  }
0x2b: {  	s6 =	sld [smem:$0x3FB4]  }
0x2c: {  	s7 =	sld [smem:$0x3FB5]  }
0x2d: {  	s3 =	simm.s32 $0x108;
	s8 =	sld [smem:$0x3FB6]  }
0x2e: {  	s3 =	simm.s32 @!p0 $0x1082;
	s9 =	sld [smem:$0x3FB7]  }
0x2f: {  	lr =	sadd.s32 s0, s3;
	s0 =	sld [smem:$0x3FAE]  }
0x30: {  	s3 =	sld [smem:$0x3FB1]  }
0x31: {  	[smem:$0x3FBA] =	sst s10  }
0x32: {  	s10 =	sld [smem:$0x3FB8];
	_ =	sdelay $0x3  }
0x33: {  	p0 =	seq.s32 s10, $0x1;
	s10 =	sld [smem:$0x3FBA];
	_ =	sdelay $0x3  }
0x34: {  	[smem:$0x3FBA] =	sst s10  }
0x35: {  	s10 =	sld [smem:$0x3FB9];
	_ =	sdelay $0x3  }
0x36: {  	p1 =	seq.s32 s10, $0x1;
	s10 =	sld [smem:$0x3FBA];
	_ =	sdelay $0x3  }
0x37: {  	[smem:$0x3FBA] =	sst s10  }
0x38: {  	s10 =	sld [smem:$0x3FBB]  }
0x39: {  	_ = 	snop;
	(pc) =	sbr.ind lr, $3  }
0x3a: {  	_ = 	snop  }
0x3b: {  	_ = 	snop  }
0x3c: {  	p2 =	seq.s32 s10, $0x1;
	s10 =	sld [smem:$0x3FBA]  }
0x3d: {  	_ =	shalt  }
0x3e: {  	_ =	shalt  }
0x3f: {  	_ =	shalt  }
0x40: {  	_ =	shalt  }
0x41: {  	_ =	shalt  }
0x42: {  	_ =	shalt  }
0x43: {  	_ =	shalt  }
0x44: {  	_ =	shalt  }
0x45: {  	_ =	shalt  }
0x46: {  	_ =	shalt  }
0x47: {  	_ =	shalt  }
0x48: {  	_ =	shalt  }
0x49: {  	_ =	shalt  }
0x4a: {  	_ =	shalt  }
0x4b: {  	_ =	shalt  }
0x4c: {  	_ =	shalt  }
0x4d: {  	_ =	shalt  }
0x4e: {  	_ =	shalt  }
0x4f: {  	_ =	shalt  }
0x50: {  	_ =	shalt  }
0x51: {  	_ =	shalt  }
0x52: {  	_ =	shalt  }
0x53: {  	_ =	shalt  }
0x54: {  	_ =	shalt  }
0x55: {  	_ =	shalt  }
0x56: {  	_ =	shalt  }
0x57: {  	_ =	shalt  }
0x58: {  	_ =	shalt  }
0x59: {  	_ =	shalt  }
0x5a: {  	_ =	shalt  }
0x5b: {  	_ =	shalt  }
0x5c: {  	_ =	shalt  }
0x5d: {  	_ =	shalt  }
0x5e: {  	_ =	shalt  }
0x5f: {  	_ =	shalt  }
0x60: {  	_ =	shalt  }
0x61: {  	_ =	shalt  }
0x62: {  	_ =	shalt  }
0x63: {  	_ =	shalt  }
0x64: {  	_ =	shalt  }
0x65: {  	_ =	shalt  }
0x66: {  	_ =	shalt  }
0x67: {  	_ =	shalt  }
0x68: {  	_ =	shalt  }
0x69: {  	_ =	shalt  }
0x6a: {  	_ =	shalt  }
0x6b: {  	_ =	shalt  }
0x6c: {  	_ =	shalt  }
0x6d: {  	_ =	shalt  }
0x6e: {  	_ =	shalt  }
0x6f: {  	_ =	shalt  }
0x70: {  	_ =	shalt  }
0x71: {  	_ =	shalt  }
0x72: {  	_ =	shalt  }
0x73: {  	_ =	shalt  }
0x74: {  	_ =	shalt  }
0x75: {  	_ =	shalt  }
0x76: {  	_ =	shalt  }
0x77: {  	_ =	shalt  }
0x78: {  	_ =	shalt  }
0x79: {  	_ =	shalt  }
0x7a: {  	_ =	shalt  }
0x7b: {  	_ =	shalt  }
0x7c: {  	_ =	shalt  }
0x7d: {  	_ =	shalt  }
0x7e: {  	_ =	shalt  }
0x7f: {  	_ =	shalt  }
0x80: {  	_ =	shalt  }
0x81: {  	_ =	shalt  }
0x82: {  	_ =	shalt  }
0x83: {  	_ =	shalt  }
0x84: {  	_ =	shalt  }
0x85: {  	_ =	shalt  }
0x86: {  	_ =	shalt  }
0x87: {  	_ =	shalt  }
.Lfunc_end0:
.L_simem_size_0:
called_computation_lowered:
.L_overlay_start_0:
0x88: {  	s2 =	sld [smem:$0x3FD9]  }
0x89: {  	s3 =	sld [smem:$0x3FFE];
	_ =	sdelay $0x1  }
0x8a: {  	s1 =	srdreg.scid  }
0x8b: {  	s0 =	sand.u32 $0x1, s1  }
0x8c: {  	s17 =	sshll.u32 s0, $0xA;
	s2 =	sadd.s32 s3, s2  }
0x8d: {  	s2 =	sadd.s32 s2, s17  }
0x8e: {  	[smem:$0x3FC6] =	sst s2  }
0x8f: {  	_ = 	snop  }
0x90: {  	s2 =	sld [smem:$0x3FD0];
	(tm) =	ssettm $0x1  }
0x91: {  	s18 =	sld [smem:$0x3FFB];
	_ =	sdelay $0x3  }
0x92: {  	_ =	strace s18  }
0x93: {  	s3 =	sld [smem:$0x3FFC];
	_ =	sdelay $0x3  }
0x94: {  	_ =	strace s3  }
0x95: {  	s3 =	sld [smem:$0x3FFD];
	_ =	sdelay $0x3  }
0x96: {  	_ =	strace s3  }
0x97: {  	_ =	strace $0x8FFFFFFF  }
0x98: {  	s19 =	sld [smem:$0x3FDB];
	_ =	sdelay $0x1  }
0x99: {  	s4 =	simm.s32 $_scs_section_size  }
0x9a: {  	s5 =	simm.s32 $_size__tile_overlayer_lowered;
	s6 =	simm.s32 $_tile_overlayer_lowered  }
0x9b: {  	s22 =	simm.s32 $0x1BFF;
	s21 =	sshll.u32 s6, $0x1;
	s3 =	sadd.s32 s4, s19  }
0x9c: {  	s7 =	simm.s32 $0x0;
	s20 =	sshll.u32 s5, $0x1;
	s5 =	sadd.s32 s21, s3  }
0x9d: {  	[timem:s7], [sflag:s22] =	dma.local [hbm:s5], s20  }
0x9e: {  	_ =	swait.ge [sflag:s22], s20  }
0x9f: {  	s4 =	ssub.s32 $0x0, s20;
	[sflag:s22] =	ssyncset.done $0x0  }
0xa0: {  	[sflag:s22] =	ssyncadd.s32 s4;
	_ =	sdelay $0x1  }
0xa1: {  	s23 =	simm.s32 $0x1B8B  }
0xa2: {  	_ =	swait.ge [sflag:s23], $0x1  }
0xa3: {  	[sflag:s23] =	ssyncset.done $0x0  }
0xa4: {  	s25 =	simm.s32 $0x1B8E;
	s24 =	sld [smem:$0x3FFE];
	[sflag:s23] =	ssyncadd.s32 $0xFFFFFFFF  }
0xa5: {  	s26 =	simm.s32 $execute0_lowered;
	[smem:$0x3FD2] =	sst s25  }
0xa6: {  	s5 =	sshll.u32 s26, $0x1;
	_ =	strace $0x80000046;
	[dreg:$0x1] =	wrdreg $0xFFFFFFFF  }
0xa7: {  	s28 =	simm.s32 $_size_execute0_lowered;
	s3 =	sadd.s32 s3, s5;
	[dreg:$0x0] =	wrdreg $0x0  }
0xa8: {  	s5 =	sshll.u32 s28, $0x1;
	[dreg:$0x2] =	wrdreg s3  }
0xa9: {  	[dreg:$0x3] =	wrdreg s5  }
0xaa: {  	[dreg:$0x4] =	wrdreg $0xC0  }
0xab: {  	_ =	task [dreg:s7], $0x5FFFF  }
0xac: {  	[dreg:$0x1] =	wrdreg $0xFFFFFFFF  }
0xad: {  	[dreg:$0x0] =	wrdreg $0x60  }
0xae: {  	[dreg:$0x2] =	wrdreg s2  }
0xaf: {  	[dreg:$0x3] =	wrdreg s24  }
0xb0: {  	[dreg:$0x4] =	wrdreg $0x9  }
0xb1: {  	_ =	task.clear_ibuf [dreg:s7], $0x5FFFF;
	_ =	strace $0x90000046  }
0xb2: {  	s29 =	simm.s32 $0x9;
	_ =	strace $0x80000048  }
0xb3: {  	_ =	swait.ge [sflag:s29], $0x1  }
0xb4: {  	[sflag:s29] =	ssyncadd.s32 $0xFFFFFFFF  }
0xb5: {  	_ =	strace $0x90000048  }
0xb6: {  	_ =	sfence  }
0xb7: {  	s30 =	sld [smem:$0x0];
	_ =	sdelay $0x2  }
0xb8: {  	s31 =	sshll.u32 s1, $0xD;
	s1 =	sshrl.u32 s1, $0x2  }
0xb9: {  	s3 =	sand.u32 $0x4000, s31;
	s1 =	sadd.s32 s1, s30  }
0xba: {  	s0 =	sor.u32 s3, s0;
	s1 =	sshll.u32 s1, $0x11  }
0xbb: {  	s0 =	sor.u32 s1, s0  }
0xbc: {  	s0 =	sadd.s32 $0x8F2B, s0  }
0xbd: {  	[sflag:s0] =	ssyncadd.remote.s32 $0x1  }
0xbe: {  	_ =	sfence.sel $0xFFFF  }
0xbf: {  	[dreg:$0x0] =	wrdreg $0xFFFFFFFF;
	(pc) =	sbr.abs _section_cstart, $3  }
0xc0: {  	[dreg:$0x1] =	wrdreg $0xFFFFFFFF  }
0xc1: {  	_ =	task.clear_ibuf [dreg:s7], $0x2FFFF;
	_ =	strace $0x9FFFFFFF  }
0xc2: {  	(tm) =	ssettm $0x7FFFFFFF  }
0xc3: {  	_ =	shalt  }
tec
execute0_lowered:
.L_overlay_start_1:
0x0: {  	(tag) =	ssettag $0x1  }
0x1: {  	s0 =	srdreg.scid;
	s2 =	rddreg [dreg:$0x0]  }
0x2: {  	s18 =	rddreg [dreg:$0x1];
	s3 =	stileid.u32;
	s4 =	simm.s32 $0x0  }
0x3: {  	s6 =	simm.s32 $0x1;
	s10 =	simm.s32 $0x1;
	s31 =	simm.s32 $0x1CE00  }
0x4: {  	s17 =	simm.s32 $0x6;
	s19 =	simm.s32 $0x18800;
	s20 =	simm.s32 $0xC400  }
0x5: {  	s21 =	simm.s32 $0x5;
	s22 =	simm.s32 $0x1A400;
	s0 =	sand.u32 $0x1, s0  }
0x6: {  	s23 =	simm.s32 $0x380;
	s24 =	simm.s32 $0x1C000;
	s1 =	sshll.u32 s0, $0x4  }
0x7: {  	s25 =	simm.s32 $0x2;
	s1 =	sor.u32 s3, s1;
	s3 =	sand.u32 $0x3, s3  }
0x8: {  	s26 =	simm.s32 $0x1C700;
	p0 =	seq.s32 s1, $0x0;
	p1 =	sne.s32 s3, $0x0  }
0x9: {  	[smem:$0x7FF] =	sst s4;
	s5 =	sadd.s32 $0xC400, s18;
	p0 =	por !p1, !p0  }
0xa: {  	s8 =	sadd.s32 $0x18800, s18;
	s0 =	ssub.s32 $0x2, s0;
	p0 =	por !p0, !p0  }
0xb: {  	s29 =	sshrl.u32 s0, $0x1;
	s7 =	sshrl.u32 s1, $0x2;
	s6 =	simm.s32 @!p0 $0x0  }
0xc: {  	s0 =	ssub.s32 s0, s29;
	s11 =	smul.u32 $0x18, s3;
	s13 =	ssub.s32 s7, s6  }
0xd: {  	_ =	strace $0x80000047;
	s0 =	smax.u32 s0, $0x1;
	s12 =	smul.u32 $0x62000, s13  }
0xe: {  	s3 =	simm.s32 $0x0;
	[dreg:$0x3] =	wrdreg s0;
	s9 =	smul.u32 $0x498000, s13  }
0xf: {  	s6 =	smul.u32 $0xE, s1;
	s7 =	sadd.s32 $0x7A800, s18;
	s30 =	sshrl.u32 s12, $0x3  }
0x10: {  	s13 =	smul.u32 $0x38, s13;
	s12 =	sadd.s32 $0xC400, s9;
	s14 =	sadd.s32 s8, s30  }
.LBB2_1:
0x11: {  	[dreg:$0x4] =	wrdreg s3;
	s0 =	simm.s32 $0x0  }
.LBB2_2:
0x12: {  	s1 =	sadd.s32 s6, s0  }
0x13: {  	s3 =	smul.u32 $0x70, s1;
	_ =	sdelay $0x1  }
0x14: {  	s16 =	simm.s32 $0x0;
	s15 =	sadd.s32 s5, s3  }
0x15: {  	[tilespmem:s31], [sflag:$0x6] =	stream.linear.gather [hbm4b:s15+s16], $0x380, $0x38;
	[tilespmem:$0x1D500] =	vst v63  }
0x16: {  	_ =	swait.ge [sflag:s17], $0x380  }
0x17: {  	[sflag:s17] =	ssyncset.done $0x0  }
0x18: {  	s3 =	sadd.s32 s18, s3;
	s15 =	simm.s32 $0x1D180;
	[sflag:s17] =	ssyncadd.s32 $0xFFFFFC80  }
0x19: {  	[tilespmem:s15], [sflag:$0x6] =	stream.linear.gather [hbm4b:s3+s16], $0x380, $0x38;
	[tilespmem:$0x1D500] =	vst v63  }
0x1a: {  	_ =	swait.ge [sflag:s17], $0x380  }
0x1b: {  	[sflag:s17] =	ssyncset.done $0x0  }
0x1c: {  	s28 =	simm.s32 $0x0;
	[sflag:s17] =	ssyncadd.s32 $0xFFFFFC80  }
0x1d: {  	v0 =	vld [tilespmem:s28+$0x1CE00]  }
0x1e: {  	v1 =	vld [tilespmem:s28+$0x1D180];
	_ =	sdelay $0x3  }
0x1f: {  	v0 =	vadd.f32 $1.000000000e+00, v0  }
0x20: {  	v1 =	vadd.f32 $1.000000000e+00, v1  }
0x21: {  	v0 =	vmul.f32 $1.120000000e+02, v0  }
0x22: {  	s15 =	simm.s32 $0x10;
	v1 =	vmul.f32 $1.120000000e+02, v1  }
0x23: {  	v9 =	vld [tilespmem:s15+$0x1CE00];
	v0 =	vadd.f32 $-5.000000000e-01, v0  }
0x24: {  	v1 =	vadd.f32 $-5.000000000e-01, v1  }
0x25: {  	v2 =	vadd.f32 $1.024000000e+03, v0  }
0x26: {  	v3 =	vadd.f32 $1.024000000e+03, v1  }
0x27: {  	v2 =	vtrunc.f32 v2  }
0x28: {  	v9 =	vadd.f32 $1.000000000e+00, v9;
	v3 =	vtrunc.f32 v3;
	v2 =	vcvt.f32.s32 v2  }
0x29: {  	v3 =	vcvt.f32.s32 v3  }
0x2a: {  	v9 =	vmul.f32 $1.120000000e+02, v9;
	v4 =	vadd.s32 $0xFFFFFC00, v2;
	v2 =	vadd.s32 $0xFFFFFC01, v2  }
0x2b: {  	v6 =	vadd.s32 $0xFFFFFC00, v3;
	v3 =	vadd.s32 $0xFFFFFC01, v3;
	v5 =	vcvt.s32.f32 v4  }
0x2c: {  	vm0 =	vgt.s32 v4, $0x0;
	vm1 =	vgt.s32 v2, $0x0;
	vm11 =	vgt.s32 v6, $0x0  }
0x2d: {  	vm12 =	vlt.u32 v2, $0xE0;
	vm2 =	vlt.u32 v6, $0xE0;
	v8 =	vnsel vm1, $0x0, v2  }
0x2e: {  	v2 =	vnsel vm11, $0x0, v6;
	v0 =	vsub.f32 v0, v5;
	v5 =	vcvt.s32.f32 v6;
	v6 =	vld [tilespmem:s15+$0x1D180]  }
0x2f: {  	vm13 =	vlt.u32 v4, $0xE0;
	vm3 =	vlt.u32 v3, $0xE0;
	vm4 =	vgt.s32 v3, $0x0  }
0x30: {  	v7 =	vnsel vm0, $0x0, v4;
	vm5 =	vmand vm13, vm3;
	v3 =	vnsel vm4, $0x0, v3  }
0x31: {  	vm1 =	vmand vm13, vm2;
	vm2 =	vmand vm12, vm2;
	v5 =	vsub.f32 v1, v5  }
0x32: {  	vm0 =	vmand vm12, vm3;
	v2 =	vmin.u32 v2, $0xDF;
	v1 =	vsub.f32 $1.000000000e+00, v0  }
0x33: {  	v7 =	vmin.u32 v7, $0xDF;
	v10 =	vsub.f32 $1.000000000e+00, v5;
	v6 =	vadd.f32 $1.000000000e+00, v6  }
0x34: {  	v3 =	vmin.u32 v3, $0xDF;
	v2 =	vmul.u32 $0xE0, v2;
	v4 =	vmul.f32 v5, v1  }
0x35: {  	v11 =	vmul.f32 v10, v1;
	v1 =	vadd.f32 $-5.000000000e-01, v9;
	v6 =	vmul.f32 $1.120000000e+02, v6  }
0x36: {  	v3 =	vmul.u32 $0xE0, v3;
	v5 =	vmul.f32 v5, v0;
	v10 =	vmul.f32 v10, v0  }
0x37: {  	v4 =	vnsel vm5, $0x0, v4;
	v0 =	vadd.f32 $-5.000000000e-01, v6;
	v6 =	vadd.f32 $1.024000000e+03, v1  }
0x38: {  	v13 =	vadd.s32 v7, v3;
	[tilespmem:s28+$0x19D00] =	vst v4;
	v4 =	vnsel vm1, $0x0, v11;
	v9 =	vnsel vm2, $0x0, v10  }
0x39: {  	[tilespmem:s28+$0x18F00] =	vst v13;
	v10 =	vnsel vm0, $0x0, v5;
	v5 =	vtrunc.f32 v6;
	v6 =	vadd.f32 $1.024000000e+03, v0  }
0x3a: {  	v8 =	vmin.u32 v8, $0xDF;
	v11 =	vadd.s32 v7, v2;
	[tilespmem:s28+$0x19600] =	vst v4;
	v12 =	vcvt.f32.s32 v5  }
0x3b: {  	v2 =	vadd.s32 v8, v2;
	[tilespmem:s28+$0x19980] =	vst v9;
	v5 =	vadd.s32 v8, v3;
	v4 =	vtrunc.f32 v6  }
0x3c: {  	[tilespmem:s28+$0x1A080] =	vst v10;
	v3 =	vadd.s32 $0xFFFFFC00, v12;
	v4 =	vcvt.f32.s32 v4;
	v6 =	vadd.s32 $0xFFFFFC01, v12  }
0x3d: {  	[tilespmem:s28+$0x18800] =	vst v11;
	v9 =	vcvt.s32.f32 v3;
	vm14 =	vgt.s32 v3, $0x0;
	vm15 =	vgt.s32 v6, $0x0  }
0x3e: {  	s29 =	simm.s32 $0x20;
	s30 =	simm.s32 $0xC0;
	[tilespmem:s28+$0x18B80] =	vst v2;
	v8 =	vadd.s32 $0xFFFFFC00, v4;
	v7 =	vnsel vm14, $0x0, v3;
	v2 =	vnsel vm15, $0x0, v6  }
.LBB2_3:
0x3f: {  	p0 =	sne.s32 s30, $0xDC0;
	v10 =	vld [tilespmem:s29+$0x1CE00];
	v9 =	vsub.f32 v1, v9;
	v1 =	vcvt.s32.f32 v8;
	vm2 =	vgt.s32 v8, $0x0;
	[tilespmem:s28+$0x19280] =	vst v5;
	s28 =	smov.u32 s15;
	s15 =	smov.u32 s29  }
0x40: {  	vm0 =	vlt.u32 v6, $0xE0;
	vm1 =	vlt.u32 v8, $0xE0;
	v5 =	vnsel vm2, $0x0, v8  }
0x41: {  	v6 =	vld [tilespmem:s15+$0x1D180];
	v0 =	vsub.f32 v0, v1;
	v1 =	vsub.f32 $1.000000000e+00, v9;
	v5 =	vmin.u32 v5, $0xDF  }
0x42: {  	v4 =	vadd.s32 $0xFFFFFC01, v4;
	v7 =	vmin.u32 v7, $0xDF;
	v5 =	vmul.u32 $0xE0, v5  }
0x43: {  	vm2 =	vlt.u32 v3, $0xE0;
	vm3 =	vlt.u32 v4, $0xE0;
	v3 =	vmul.f32 v0, v1  }
0x44: {  	vm4 =	vgt.s32 v4, $0x0;
	vm5 =	vmand vm2, vm3;
	v8 =	vadd.f32 $1.000000000e+00, v10  }
0x45: {  	v4 =	vnsel vm4, $0x0, v4;
	v10 =	vsub.f32 $1.000000000e+00, v0;
	v3 =	vnsel vm5, $0x0, v3  }
0x46: {  	v4 =	vmin.u32 v4, $0xDF;
	v8 =	vmul.f32 $1.120000000e+02, v8;
	v6 =	vadd.f32 $1.000000000e+00, v6;
	[tilespmem:s28+$0x19D00] =	vst v3  }
0x47: {  	v3 =	vmul.u32 $0xE0, v4;
	v4 =	vmul.f32 v10, v1;
	v10 =	vmul.f32 v10, v9  }
0x48: {  	v1 =	vadd.f32 $-5.000000000e-01, v8;
	v6 =	vmul.f32 $1.120000000e+02, v6;
	v8 =	vmul.f32 v0, v9  }
0x49: {  	v2 =	vmin.u32 v2, $0xDF;
	vm2 =	vmand vm2, vm1;
	vm1 =	vmand vm0, vm1  }
0x4a: {  	vm0 =	vmand vm0, vm3;
	v0 =	vadd.f32 $-5.000000000e-01, v6;
	v6 =	vadd.f32 $1.024000000e+03, v1  }
0x4b: {  	v4 =	vnsel vm2, $0x0, v4;
	v9 =	vnsel vm1, $0x0, v10;
	v8 =	vnsel vm0, $0x0, v8  }
0x4c: {  	v11 =	vadd.s32 v7, v5;
	v6 =	vtrunc.f32 v6;
	v10 =	vadd.f32 $1.024000000e+03, v0;
	[tilespmem:s28+$0x19600] =	vst v4  }
.Ltmp0:
0x4d: {  	v12 =	vadd.s32 v2, v5;
	v13 =	vadd.s32 v7, v3;
	v6 =	vcvt.f32.s32 v6;
	[tilespmem:s28+$0x19980] =	vst v9;
	(pc) =	sbr.rel @p0 .LBB2_3-.Ltmp0, $4  }
0x4e: {  	v5 =	vadd.s32 v2, v3;
	v4 =	vtrunc.f32 v10;
	[tilespmem:s28+$0x1A080] =	vst v8  }
0x4f: {  	v3 =	vadd.s32 $0xFFFFFC00, v6;
	v4 =	vcvt.f32.s32 v4;
	v6 =	vadd.s32 $0xFFFFFC01, v6;
	[tilespmem:s28+$0x18800] =	vst v11  }
0x50: {  	v9 =	vcvt.s32.f32 v3;
	vm0 =	vgt.s32 v3, $0x0;
	vm1 =	vgt.s32 v6, $0x0;
	[tilespmem:s28+$0x18B80] =	vst v12  }
0x51: {  	s29 =	sshra.s32 s30, $0x2;
	s30 =	sadd.s32 $0x40, s30;
	v8 =	vadd.s32 $0xFFFFFC00, v4;
	v7 =	vnsel vm0, $0x0, v3;
	v2 =	vnsel vm1, $0x0, v6;
	[tilespmem:s28+$0x18F00] =	vst v13  }
0x52: {  	v10 =	vld [tilespmem:s29+$0x1CE00];
	v1 =	vsub.f32 v1, v9  }
0x53: {  	v40 =	vcvt.s32.f32 v8;
	[tilespmem:s28+$0x19280] =	vst v5;
	vm1 =	vgt.s32 v8, $0x0;
	vm0 =	vlt.u32 v6, $0xE0  }
0x54: {  	vm2 =	vlt.u32 v8, $0xE0;
	v4 =	vadd.s32 $0xFFFFFC01, v4;
	v7 =	vmin.u32 v7, $0xDF;
	v5 =	vld [tilespmem:s29+$0x1D180]  }
0x55: {  	vm15 =	vlt.u32 v3, $0xE0;
	v2 =	vmin.u32 v2, $0xDF;
	v41 =	vnsel vm1, $0x0, v8  }
0x56: {  	vm3 =	vlt.u32 v4, $0xE0;
	vm4 =	vgt.s32 v4, $0x0;
	vm1 =	vmand vm15, vm2  }
0x57: {  	vm2 =	vmand vm0, vm2;
	v0 =	vsub.f32 v0, v40;
	v43 =	vadd.f32 $1.000000000e+00, v10  }
0x58: {  	v42 =	vsub.f32 $1.000000000e+00, v1;
	v6 =	vmin.u32 v41, $0xDF;
	vm5 =	vmand vm15, vm3  }
0x59: {  	v4 =	vnsel vm4, $0x0, v4;
	v5 =	vadd.f32 $1.000000000e+00, v5;
	v3 =	vmul.f32 $1.120000000e+02, v43  }
0x5a: {  	vm0 =	vmand vm0, vm3;
	v6 =	vmul.u32 $0xE0, v6;
	v4 =	vmin.u32 v4, $0xDF  }
0x5b: {  	v9 =	vmul.f32 v0, v42;
	v5 =	vmul.f32 $1.120000000e+02, v5;
	v3 =	vadd.f32 $-5.000000000e-01, v3  }
0x5c: {  	v44 =	vsub.f32 $1.000000000e+00, v0;
	v4 =	vmul.u32 $0xE0, v4;
	v0 =	vmul.f32 v0, v1  }
0x5d: {  	v12 =	vadd.s32 v7, v6;
	v45 =	vadd.f32 $-5.000000000e-01, v5;
	v46 =	vadd.f32 $1.024000000e+03, v3  }
0x5e: {  	v6 =	vadd.s32 v2, v6;
	v9 =	vnsel vm5, $0x0, v9;
	v8 =	vmul.f32 v44, v42  }
0x5f: {  	v10 =	vmul.f32 v44, v1;
	v11 =	vadd.f32 $1.024000000e+03, v45;
	v5 =	vtrunc.f32 v46  }
0x60: {  	v0 =	vnsel vm0, $0x0, v0;
	v7 =	vadd.s32 v7, v4;
	v5 =	vcvt.f32.s32 v5  }
0x61: {  	v2 =	vadd.s32 v2, v4;
	v8 =	vnsel vm1, $0x0, v8;
	v11 =	vtrunc.f32 v11  }
0x62: {  	v10 =	vnsel vm2, $0x0, v10;
	v11 =	vcvt.f32.s32 v11;
	v13 =	vadd.s32 $0xFFFFFC00, v5  }
0x63: {  	v5 =	vadd.s32 $0xFFFFFC01, v5;
	v47 =	vcvt.s32.f32 v13;
	vm6 =	vgt.s32 v13, $0x0  }
0x64: {  	[tilespmem:s15+$0x18800] =	vst v12;
	v14 =	vadd.s32 $0xFFFFFC00, v11;
	vm7 =	vgt.s32 v5, $0x0;
	vm9 =	vlt.u32 v5, $0xE0  }
0x65: {  	[tilespmem:s15+$0x18B80] =	vst v6;
	v52 =	vadd.s32 $0xFFFFFC01, v11;
	vm11 =	vlt.u32 v13, $0xE0;
	v48 =	vcvt.s32.f32 v14  }
0x66: {  	[tilespmem:s15+$0x19D00] =	vst v9;
	v49 =	vnsel vm6, $0x0, v13;
	vm8 =	vgt.s32 v14, $0x0;
	v5 =	vnsel vm7, $0x0, v5  }
0x67: {  	[tilespmem:s15+$0x1A080] =	vst v0;
	vm10 =	vlt.u32 v14, $0xE0;
	vm12 =	vlt.u32 v52, $0xE0;
	v50 =	vnsel vm8, $0x0, v14  }
0x68: {  	[tilespmem:s15+$0x18F00] =	vst v7;
	vm13 =	vgt.s32 v52, $0x0;
	v3 =	vsub.f32 v3, v47;
	v4 =	vmin.u32 v50, $0xDF  }
0x69: {  	[tilespmem:s15+$0x19280] =	vst v2;
	v57 =	vnsel vm13, $0x0, v52;
	v59 =	vmin.u32 v49, $0xDF;
	v4 =	vmul.u32 $0xE0, v4  }
0x6a: {  	[tilespmem:s15+$0x19600] =	vst v8;
	v1 =	vsub.f32 v45, v48;
	v2 =	vmin.u32 v57, $0xDF;
	v51 =	vsub.f32 $1.000000000e+00, v3  }
0x6b: {  	[tilespmem:s15+$0x19980] =	vst v10;
	v60 =	vmin.u32 v5, $0xDF;
	v2 =	vmul.u32 $0xE0, v2;
	v61 =	vadd.s32 v59, v4  }
0x6c: {  	v53 =	vsub.f32 $1.000000000e+00, v1;
	v54 =	vmul.f32 v1, v51;
	v62 =	vadd.s32 v60, v4;
	[tilespmem:s29+$0x18800] =	vst v61  }
0x6d: {  	vm14 =	vmand vm11, vm12;
	v1 =	vmul.f32 v1, v3;
	v63 =	vadd.s32 v60, v2;
	[tilespmem:s29+$0x18B80] =	vst v62  }
0x6e: {  	vm15 =	vmand vm9, vm12;
	v0 =	vmul.f32 v53, v51;
	[tilespmem:s29+$0x19280] =	vst v63;
	v55 =	vnsel vm14, $0x0, v54  }
0x6f: {  	vm1 =	vmand vm11, vm10;
	v56 =	vmul.f32 v53, v3;
	v1 =	vnsel vm15, $0x0, v1;
	[tilespmem:s29+$0x19D00] =	vst v55  }
0x70: {  	vm0 =	vmand vm9, vm10;
	v0 =	vnsel vm1, $0x0, v0;
	[tilespmem:s29+$0x1A080] =	vst v1  }
0x71: {  	s1 =	smul.u32 $0x380, s1;
	s0 =	sadd.s32 $0x1, s0;
	v58 =	vnsel vm0, $0x0, v56;
	[tilespmem:s29+$0x19600] =	vst v0  }
0x72: {  	p0 =	sne.s32 s0, $0xE;
	[tilespmem:s29+$0x19980] =	vst v58;
	v0 =	vadd.s32 v59, v2  }
.Ltmp1:
0x73: {  	s1 =	sadd.s32 s8, s1;
	[tilespmem:s29+$0x18F00] =	vst v0;
	(pc) =	sbr.rel @p0 .LBB2_2-.Ltmp1, $4  }
0x74: {  	[hbm4b:s1+s4] =	stream.linear.scatter [tilespmem:s19], [sflag:$0x6], $0x1C00, $0x38;
	[tilespmem:$0x1D500] =	vst v63  }
0x75: {  	_ =	swait.ge [sflag:s17], $0x1C00  }
0x76: {  	[sflag:s17] =	ssyncset.done $0x0  }
0x77: {  	[sflag:s17] =	ssyncadd.s32 $0xFFFFE400  }
0x78: {  	[bflag:$0x0] =	sbarrier.arrive $0xFFFF;
	s31 =	simm.s32 $0x0;
	s0 =	simm.s32 $0x0  }
.LBB2_6:
0x79: {  	s1 =	sshll.u32 s0, $0x1  }
0x7a: {  	s1 =	sadd.s32 s11, s1  }
0x7b: {  	s3 =	smul.u32 $0xC400, s1;
	_ =	sdelay $0x1  }
0x7c: {  	s1 =	sadd.s32 s9, s3  }
0x7d: {  	s3 =	sadd.s32 s12, s3;
	s15 =	sshrl.u32 s1, $0x3  }
0x7e: {  	s3 =	sshrl.u32 s3, $0x3;
	s15 =	sadd.s32 s2, s15  }
0x7f: {  	[tilespmem:s31], [sflag:$0x5] =	stream.linear.gather [hbm4b:s15+s31], $0xC400, $0x38;
	[tilespmem:$0x1D500] =	vst v63  }
0x80: {  	s3 =	sadd.s32 s2, s3  }
0x81: {  	[tilespmem:s20], [sflag:$0x5] =	stream.linear.gather [hbm4b:s3+s31], $0xC400, $0x38;
	[tilespmem:$0x1D500] =	vst v63  }
0x82: {  	_ =	swait.ge [sflag:s21], $0xC400  }
0x83: {  	[sflag:s21] =	ssyncset.done $0x0  }
0x84: {  	[sflag:s21] =	ssyncadd.s32 $0xFFFF3C00  }
0x85: {  	_ =	swait.ge [sflag:s21], $0xC400  }
0x86: {  	[sflag:s21] =	ssyncset.done $0x0  }
0x87: {  	s28 =	simm.s32 $0x0;
	s15 =	smul.u32 $0x38, s0;
	[sflag:s21] =	ssyncadd.s32 $0xFFFF3C00  }
0x88: {  	[tilespmem:s19], [sflag:$0x1] =	stream.linear.gather [hbm4b:s14+s31], $0x1C00, $0x38;
	[tilespmem:$0x1D500] =	vst v63  }
.LBB2_7:
0x89: {  	s29 =	sshll.u32 s28, $0x1  }
0x8a: {  	s3 =	sadd.s32 s13, s29  }
0x8b: {  	s3 =	smul.u32 $0x1C00, s3;
	_ =	sdelay $0x1  }
0x8c: {  	s3 =	sadd.s32 $0x1C00, s3  }
0x8d: {  	s3 =	sshrl.u32 s3, $0x3  }
0x8e: {  	s3 =	sadd.s32 s8, s3  }
0x8f: {  	[tilespmem:s22], [sflag:$0x2] =	stream.linear.gather [hbm4b:s3+s4], $0x1C00, $0x38;
	[tilespmem:$0x1D500] =	vst v63  }
0x90: {  	s18 =	sor.u32 s15, s28;
	_ =	swait.ge [sflag:s10], $0x1C00  }
0x91: {  	p0 =	seq.s32 s18, $0x0;
	[sflag:s10] =	ssyncset.done $0x0  }
0x92: {  	s3 =	simm.s32 @!p0 $0x3;
	[sflag:s10] =	ssyncadd.s32 $0xFFFFE400  }
0x93: {  	_ =	swait.ge @!p0 [sflag:s3], $0x700  }
0x94: {  	[sflag:s3] =	ssyncset.done @!p0 $0x0  }
0x95: {  	s30 =	simm.s32 $0x0;
	[sflag:s3] =	ssyncadd.s32 @!p0 $0xFFFFF900  }
0x96: {  	v0 =	vld [tilespmem:s30+$0x18B80]  }
0x97: {  	v1 =	vld [tilespmem:s30+$0x18800];
	_ =	sdelay $0x1  }
0x98: {  	v2 =	vld [tilespmem:s30+$0x18F00];
	_ =	sdelay $0x1  }
0x99: {  	v3 =	vld [tilespmem:s30+$0x19280]  }
0x9a: {  	v4 =	vld [tilespmem:s30+$0x19980]  }
0x9b: {  	v7 =	vld [tilespmem:s30+$0x19600]  }
0x9c: {  	v5 =	vld.idx.msk [tilespmem:v0+s4+$0x0], $0xffff  }
0x9d: {  	v6 =	vld.idx.msk [tilespmem:v1+s4+$0x0], $0xffff  }
0x9e: {  	v9 =	vld [tilespmem:s30+$0x19D00]  }
0x9f: {  	v8 =	vld.idx.msk [tilespmem:v2+s4+$0x0], $0xffff  }
0xa0: {  	v11 =	vld [tilespmem:s30+$0x1A080]  }
0xa1: {  	v10 =	vld.idx.msk [tilespmem:v3+s4+$0x0], $0xffff  }
0xa2: {  	v6 =	vmul.f32 v6, v7;
	v5 =	vmul.f32 v5, v4;
	_ =	sdelay $0x1  }
0xa3: {  	v5 =	vadd.f32 v5, v6;
	v6 =	vmul.f32 v8, v9;
	_ =	sdelay $0x1  }
0xa4: {  	v5 =	vadd.f32 v6, v5;
	v6 =	vmul.f32 v10, v11;
	_ =	sdelay $0x1  }
0xa5: {  	v5 =	vadd.f32 v6, v5;
	_ =	sdelay $0x1  }
0xa6: {  	[tilespmem:s30+$0x1C000] =	vst v5  }
0xa7: {  	v1 =	vld.idx.msk [tilespmem:v1+s20+$0x0], $0xffff  }
0xa8: {  	v0 =	vld.idx.msk [tilespmem:v0+s20+$0x0], $0xffff;
	_ =	sdelay $0x2  }
0xa9: {  	v2 =	vld.idx.msk [tilespmem:v2+s20+$0x0], $0xffff;
	_ =	sdelay $0x1  }
0xaa: {  	v3 =	vld.idx.msk [tilespmem:v3+s20+$0x0], $0xffff;
	v1 =	vmul.f32 v1, v7;
	v4 =	vmul.f32 v0, v4  }
0xab: {  	s16 =	simm.s32 $0x10  }
0xac: {  	v4 =	vadd.f32 v4, v1;
	v1 =	vld [tilespmem:s16+$0x18B80]  }
0xad: {  	v0 =	vld [tilespmem:s16+$0x18800];
	v5 =	vmul.f32 v2, v9;
	_ =	sdelay $0x1  }
0xae: {  	s3 =	simm.s32 $0x80;
	v3 =	vmul.f32 v3, v11;
	v2 =	vld [tilespmem:s16+$0x18F00];
	v4 =	vadd.f32 v5, v4  }
.LBB2_8:
0xaf: {  	p0 =	sne.s32 s3, $0xDC0;
	s18 =	smov.u32 s3;
	s3 =	sadd.s32 $0x40, s3  }
0xb0: {  	v5 =	vld [tilespmem:s16+$0x19280];
	v3 =	vadd.f32 v3, v4;
	_ =	sdelay $0x1  }
0xb1: {  	v4 =	vld [tilespmem:s16+$0x19980];
	[tilespmem:s30+$0x1C380] =	vst v3;
	s30 =	smov.u32 s16  }
0xb2: {  	v3 =	vld.idx.msk [tilespmem:v1+s4+$0x0], $0xffff  }
0xb3: {  	v6 =	vld.idx.msk [tilespmem:v0+s4+$0x0], $0xffff  }
0xb4: {  	v7 =	vld [tilespmem:s30+$0x19600]  }
0xb5: {  	v8 =	vld.idx.msk [tilespmem:v2+s4+$0x0], $0xffff  }
0xb6: {  	v9 =	vld [tilespmem:s30+$0x19D00]  }
0xb7: {  	v10 =	vld.idx.msk [tilespmem:v5+s4+$0x0], $0xffff  }
0xb8: {  	v11 =	vld [tilespmem:s30+$0x1A080]  }
0xb9: {  	v3 =	vmul.f32 v3, v4;
	v6 =	vmul.f32 v6, v7;
	_ =	sdelay $0x1  }
0xba: {  	v3 =	vadd.f32 v3, v6;
	v6 =	vmul.f32 v8, v9;
	_ =	sdelay $0x1  }
0xbb: {  	v3 =	vadd.f32 v6, v3;
	v6 =	vmul.f32 v10, v11;
	_ =	sdelay $0x1  }
0xbc: {  	v3 =	vadd.f32 v6, v3;
	_ =	sdelay $0x1  }
0xbd: {  	[tilespmem:s30+$0x1C000] =	vst v3  }
0xbe: {  	v0 =	vld.idx.msk [tilespmem:v0+s20+$0x0], $0xffff  }
0xbf: {  	v1 =	vld.idx.msk [tilespmem:v1+s20+$0x0], $0xffff  }
0xc0: {  	v2 =	vld.idx.msk [tilespmem:v2+s20+$0x0], $0xffff;
	_ =	sdelay $0x1  }
0xc1: {  	v3 =	vld.idx.msk [tilespmem:v5+s20+$0x0], $0xffff;
	_ =	sdelay $0x1  }
0xc2: {  	s16 =	sshra.s32 s18, $0x2;
	v5 =	vmul.f32 v0, v7  }
.Ltmp2:
0xc3: {  	v4 =	vmul.f32 v1, v4;
	v0 =	vld [tilespmem:s16+$0x18800];
	(pc) =	sbr.rel @p0 .LBB2_8-.Ltmp2, $4  }
0xc4: {  	v6 =	vmul.f32 v2, v9;
	v1 =	vld [tilespmem:s16+$0x18B80]  }
0xc5: {  	v4 =	vadd.f32 v4, v5  }
0xc6: {  	v3 =	vmul.f32 v3, v11  }
0xc7: {  	v4 =	vadd.f32 v6, v4;
	v2 =	vld [tilespmem:s16+$0x18F00]  }
0xc8: {  	_ =	sdelay $0x1  }
0xc9: {  	v3 =	vadd.f32 v3, v4  }
0xca: {  	v5 =	vld [tilespmem:s16+$0x19280]  }
0xcb: {  	v4 =	vld [tilespmem:s16+$0x19980];
	[tilespmem:s30+$0x1C380] =	vst v3  }
0xcc: {  	v3 =	vld.idx.msk [tilespmem:v1+s4+$0x0], $0xffff  }
0xcd: {  	v6 =	vld.idx.msk [tilespmem:v0+s4+$0x0], $0xffff  }
0xce: {  	v7 =	vld [tilespmem:s16+$0x19600]  }
0xcf: {  	v8 =	vld.idx.msk [tilespmem:v2+s4+$0x0], $0xffff  }
0xd0: {  	v9 =	vld [tilespmem:s16+$0x19D00]  }
0xd1: {  	v11 =	vld [tilespmem:s16+$0x1A080]  }
0xd2: {  	v10 =	vld.idx.msk [tilespmem:v5+s4+$0x0], $0xffff  }
0xd3: {  	v6 =	vmul.f32 v6, v7;
	v3 =	vmul.f32 v3, v4;
	_ =	sdelay $0x1  }
0xd4: {  	v3 =	vadd.f32 v3, v6;
	v6 =	vmul.f32 v8, v9;
	_ =	sdelay $0x1  }
0xd5: {  	v3 =	vadd.f32 v6, v3;
	v6 =	vmul.f32 v10, v11;
	_ =	sdelay $0x1  }
0xd6: {  	v3 =	vadd.f32 v6, v3;
	_ =	sdelay $0x1  }
0xd7: {  	[tilespmem:s16+$0x1C000] =	vst v3  }
0xd8: {  	v0 =	vld.idx.msk [tilespmem:v0+s20+$0x0], $0xffff  }
0xd9: {  	v1 =	vld.idx.msk [tilespmem:v1+s20+$0x0], $0xffff;
	_ =	sdelay $0x1  }
0xda: {  	v2 =	vld.idx.msk [tilespmem:v2+s20+$0x0], $0xffff;
	_ =	sdelay $0x1  }
0xdb: {  	v3 =	vld.idx.msk [tilespmem:v5+s20+$0x0], $0xffff  }
0xdc: {  	v0 =	vmul.f32 v0, v7;
	v1 =	vmul.f32 v1, v4;
	_ =	sdelay $0x1  }
0xdd: {  	v2 =	vmul.f32 v2, v9;
	v0 =	vadd.f32 v1, v0;
	_ =	sdelay $0x1  }
0xde: {  	s3 =	smul.u32 $0x700, s28;
	v1 =	vmul.f32 v3, v11;
	v0 =	vadd.f32 v2, v0  }
0xdf: {  	s29 =	sor.u32 $0x1, s29  }
0xe0: {  	p0 =	sgt.u32 s29, $0x36;
	s3 =	sadd.s32 s1, s3;
	v0 =	vadd.f32 v1, v0  }
0xe1: {  	s18 =	sadd.s32 @!p0 s13, s29;
	s3 =	sshrl.u32 s3, $0x3  }
0xe2: {  	s3 =	sadd.s32 s7, s3;
	[tilespmem:s16+$0x1C380] =	vst v0;
	s16 =	smul.u32 @!p0 $0x1C00, s18  }
0xe3: {  	[hbm4b:s3+s23] =	stream.strided.scatter [tilespmem:s24], [sflag:$0x3], $0x700, s20, s23, $0x38;
	[tilespmem:$0x1D500] =	vst v63  }
0xe4: {  	s3 =	sadd.s32 @!p0 $0x1C00, s16  }
0xe5: {  	s3 =	sshrl.u32 @!p0 s3, $0x3  }
0xe6: {  	s18 =	simm.s32 @!p0 $0x18800;
	s16 =	simm.s32 @!p0 $0x0;
	s3 =	sadd.s32 @!p0 s8, s3  }
0xe7: {  	[tilespmem:s18], [sflag:$0x1] =	stream.linear.gather @!p0 [hbm4b:s3+s16], $0x1C00, $0x38;
	[tilespmem:$0x1D500] =	vst v63  }
0xe8: {  	s18 =	sadd.s32 s15, s29;
	_ =	swait.ge [sflag:s25], $0x1C00  }
0xe9: {  	p0 =	seq.s32 s18, $0x1;
	[sflag:s25] =	ssyncset.done $0x0  }
0xea: {  	s3 =	simm.s32 @!p0 $0x4;
	[sflag:s25] =	ssyncadd.s32 $0xFFFFE400  }
0xeb: {  	_ =	swait.ge @!p0 [sflag:s3], $0x700  }
0xec: {  	[sflag:s3] =	ssyncset.done @!p0 $0x0  }
0xed: {  	s30 =	simm.s32 $0x0;
	[sflag:s3] =	ssyncadd.s32 @!p0 $0xFFFFF900  }
0xee: {  	v0 =	vld [tilespmem:s30+$0x1A780]  }
0xef: {  	v1 =	vld [tilespmem:s30+$0x1A400];
	_ =	sdelay $0x1  }
0xf0: {  	v2 =	vld [tilespmem:s30+$0x1AB00];
	_ =	sdelay $0x1  }
0xf1: {  	v3 =	vld [tilespmem:s30+$0x1AE80]  }
0xf2: {  	v4 =	vld [tilespmem:s30+$0x1B580]  }
0xf3: {  	v7 =	vld [tilespmem:s30+$0x1B200]  }
0xf4: {  	v5 =	vld.idx.msk [tilespmem:v0+s4+$0x0], $0xffff  }
0xf5: {  	v6 =	vld.idx.msk [tilespmem:v1+s4+$0x0], $0xffff  }
0xf6: {  	v61 =	vld [tilespmem:s30+$0x1B900]  }
0xf7: {  	v60 =	vld.idx.msk [tilespmem:v2+s4+$0x0], $0xffff  }
0xf8: {  	v63 =	vld [tilespmem:s30+$0x1BC80]  }
0xf9: {  	v62 =	vld.idx.msk [tilespmem:v3+s4+$0x0], $0xffff  }
0xfa: {  	v6 =	vmul.f32 v6, v7;
	v5 =	vmul.f32 v5, v4;
	_ =	sdelay $0x1  }
0xfb: {  	v5 =	vadd.f32 v5, v6;
	v6 =	vmul.f32 v60, v61;
	_ =	sdelay $0x1  }
0xfc: {  	v5 =	vadd.f32 v6, v5;
	v6 =	vmul.f32 v62, v63;
	_ =	sdelay $0x1  }
0xfd: {  	v5 =	vadd.f32 v6, v5;
	_ =	sdelay $0x1  }
0xfe: {  	[tilespmem:s30+$0x1C700] =	vst v5  }
0xff: {  	v1 =	vld.idx.msk [tilespmem:v1+s20+$0x0], $0xffff  }
0x100: {  	v0 =	vld.idx.msk [tilespmem:v0+s20+$0x0], $0xffff;
	_ =	sdelay $0x2  }
0x101: {  	v2 =	vld.idx.msk [tilespmem:v2+s20+$0x0], $0xffff;
	_ =	sdelay $0x1  }
0x102: {  	v3 =	vld.idx.msk [tilespmem:v3+s20+$0x0], $0xffff;
	v1 =	vmul.f32 v1, v7;
	v4 =	vmul.f32 v0, v4  }
0x103: {  	s16 =	simm.s32 $0x10  }
0x104: {  	v4 =	vadd.f32 v4, v1;
	v1 =	vld [tilespmem:s16+$0x1A780]  }
0x105: {  	v0 =	vld [tilespmem:s16+$0x1A400];
	v5 =	vmul.f32 v2, v61;
	_ =	sdelay $0x1  }
0x106: {  	s3 =	simm.s32 $0x80;
	v3 =	vmul.f32 v3, v63;
	v2 =	vld [tilespmem:s16+$0x1AB00];
	v4 =	vadd.f32 v5, v4  }
.LBB2_10:
0x107: {  	p0 =	sne.s32 s3, $0xDC0;
	s18 =	smov.u32 s3;
	s3 =	sadd.s32 $0x40, s3  }
0x108: {  	v5 =	vld [tilespmem:s16+$0x1AE80];
	v3 =	vadd.f32 v3, v4;
	_ =	sdelay $0x1  }
0x109: {  	v4 =	vld [tilespmem:s16+$0x1B580];
	[tilespmem:s30+$0x1CA80] =	vst v3;
	s30 =	smov.u32 s16  }
0x10a: {  	v3 =	vld.idx.msk [tilespmem:v1+s4+$0x0], $0xffff  }
0x10b: {  	v6 =	vld.idx.msk [tilespmem:v0+s4+$0x0], $0xffff  }
0x10c: {  	v7 =	vld [tilespmem:s30+$0x1B200]  }
0x10d: {  	v8 =	vld.idx.msk [tilespmem:v2+s4+$0x0], $0xffff  }
0x10e: {  	v9 =	vld [tilespmem:s30+$0x1B900]  }
0x10f: {  	v10 =	vld.idx.msk [tilespmem:v5+s4+$0x0], $0xffff  }
0x110: {  	v11 =	vld [tilespmem:s30+$0x1BC80]  }
0x111: {  	v3 =	vmul.f32 v3, v4;
	v6 =	vmul.f32 v6, v7;
	_ =	sdelay $0x1  }
0x112: {  	v3 =	vadd.f32 v3, v6;
	v6 =	vmul.f32 v8, v9;
	_ =	sdelay $0x1  }
0x113: {  	v3 =	vadd.f32 v6, v3;
	v6 =	vmul.f32 v10, v11;
	_ =	sdelay $0x1  }
0x114: {  	v3 =	vadd.f32 v6, v3;
	_ =	sdelay $0x1  }
0x115: {  	[tilespmem:s30+$0x1C700] =	vst v3  }
0x116: {  	v0 =	vld.idx.msk [tilespmem:v0+s20+$0x0], $0xffff  }
0x117: {  	v1 =	vld.idx.msk [tilespmem:v1+s20+$0x0], $0xffff  }
0x118: {  	v2 =	vld.idx.msk [tilespmem:v2+s20+$0x0], $0xffff;
	_ =	sdelay $0x1  }
0x119: {  	v3 =	vld.idx.msk [tilespmem:v5+s20+$0x0], $0xffff;
	_ =	sdelay $0x1  }
0x11a: {  	s16 =	sshra.s32 s18, $0x2;
	v5 =	vmul.f32 v0, v7  }
.Ltmp3:
0x11b: {  	v4 =	vmul.f32 v1, v4;
	v0 =	vld [tilespmem:s16+$0x1A400];
	(pc) =	sbr.rel @p0 .LBB2_10-.Ltmp3, $4  }
0x11c: {  	v6 =	vmul.f32 v2, v9;
	v1 =	vld [tilespmem:s16+$0x1A780]  }
0x11d: {  	v4 =	vadd.f32 v4, v5  }
0x11e: {  	v3 =	vmul.f32 v3, v11  }
0x11f: {  	v4 =	vadd.f32 v6, v4;
	v2 =	vld [tilespmem:s16+$0x1AB00]  }
0x120: {  	_ =	sdelay $0x1  }
0x121: {  	v3 =	vadd.f32 v3, v4  }
0x122: {  	v5 =	vld [tilespmem:s16+$0x1AE80]  }
0x123: {  	v57 =	vld [tilespmem:s16+$0x1B580];
	[tilespmem:s30+$0x1CA80] =	vst v3  }
0x124: {  	v3 =	vld.idx.msk [tilespmem:v1+s4+$0x0], $0xffff  }
0x125: {  	v6 =	vld.idx.msk [tilespmem:v0+s4+$0x0], $0xffff  }
0x126: {  	v7 =	vld [tilespmem:s16+$0x1B200]  }
0x127: {  	v8 =	vld.idx.msk [tilespmem:v2+s4+$0x0], $0xffff  }
0x128: {  	v9 =	vld [tilespmem:s16+$0x1B900]  }
0x129: {  	v11 =	vld [tilespmem:s16+$0x1BC80]  }
0x12a: {  	v10 =	vld.idx.msk [tilespmem:v5+s4+$0x0], $0xffff  }
0x12b: {  	v6 =	vmul.f32 v6, v7;
	v3 =	vmul.f32 v3, v57;
	_ =	sdelay $0x1  }
0x12c: {  	v58 =	vmul.f32 v8, v9;
	v3 =	vadd.f32 v3, v6;
	_ =	sdelay $0x1  }
0x12d: {  	v3 =	vadd.f32 v58, v3;
	v59 =	vmul.f32 v10, v11;
	_ =	sdelay $0x1  }
0x12e: {  	v3 =	vadd.f32 v59, v3;
	_ =	sdelay $0x1  }
0x12f: {  	[tilespmem:s16+$0x1C700] =	vst v3  }
0x130: {  	v60 =	vld.idx.msk [tilespmem:v0+s20+$0x0], $0xffff  }
0x131: {  	v61 =	vld.idx.msk [tilespmem:v1+s20+$0x0], $0xffff;
	_ =	sdelay $0x1  }
0x132: {  	v62 =	vld.idx.msk [tilespmem:v2+s20+$0x0], $0xffff;
	_ =	sdelay $0x1  }
0x133: {  	v3 =	vld.idx.msk [tilespmem:v5+s20+$0x0], $0xffff  }
0x134: {  	v0 =	vmul.f32 v60, v7;
	v1 =	vmul.f32 v61, v57;
	_ =	sdelay $0x1  }
0x135: {  	v2 =	vmul.f32 v62, v9;
	v0 =	vadd.f32 v1, v0  }
0x136: {  	s28 =	sadd.s32 $0x1, s28  }
0x137: {  	s3 =	smul.u32 $0x380, s29;
	p0 =	sne.s32 s28, $0x1C;
	v63 =	vmul.f32 v3, v11;
	v0 =	vadd.f32 v2, v0  }
.Ltmp4:
0x138: {  	_ = 	snop;
	(pc) =	sbr.rel @p0 .LBB2_7-.Ltmp4, $4  }
0x139: {  	s3 =	sadd.s32 s1, s3;
	v0 =	vadd.f32 v63, v0  }
0x13a: {  	s3 =	sshrl.u32 s3, $0x3  }
0x13b: {  	s3 =	sadd.s32 s7, s3;
	[tilespmem:s16+$0x1CA80] =	vst v0  }
0x13c: {  	[hbm4b:s3+s23] =	stream.strided.scatter [tilespmem:s26], [sflag:$0x4], $0x700, s20, s23, $0x38;
	[tilespmem:$0x1D500] =	vst v63  }
0x13d: {  	s0 =	sadd.s32 $0x1, s0  }
0x13e: {  	p0 =	sne.s32 s0, $0xC  }
.Ltmp5:
0x13f: {  	_ = 	snop;
	(pc) =	sbr.rel @p0 .LBB2_6-.Ltmp5, $1  }
0x140: {  	_ =	sdelay $0x3  }
0x141: {  	s0 =	simm.s32 $0x3  }
0x142: {  	_ =	swait.ge [sflag:s0], $0x700  }
0x143: {  	[sflag:s0] =	ssyncset.done $0x0  }
0x144: {  	s1 =	simm.s32 $0x4;
	[sflag:s0] =	ssyncadd.s32 $0xFFFFF900  }
0x145: {  	_ =	swait.ge [sflag:s1], $0x700  }
0x146: {  	s3 =	rddreg [dreg:$0x4]  }
0x147: {  	s30 =	rddreg [dreg:$0x3];
	s3 =	sadd.s32 $0x1, s3  }
0x148: {  	p0 =	sne.s32 s3, s30  }
.Ltmp6:
0x149: {  	_ = 	snop;
	(pc) =	sbr.rel @p0 .LBB2_1-.Ltmp6, $4  }
0x14a: {  	_ = 	snop  }
0x14b: {  	[sflag:s1] =	ssyncset.done $0x0  }
0x14c: {  	[sflag:s1] =	ssyncadd.s32 $0xFFFFF900  }
0x14d: {  	s31 =	simm.s32 $0x1CE00;
	s18 =	rddreg [dreg:$0x1]  }
0x14e: {  	_ =	sfence.sel $0x180000  }
0x14f: {  	[bflag:$0x0] =	sbarrier.arrive $0xFFFF  }
0x150: {  	_ =	strace $0x90000047  }
0x151: {  	s0 =	stileid.u32;
	[bflag:$0x2] =	sbarrier.arrive $0xFFFF  }
0x152: {  	p0 =	sne.s32 s0, $0x0;
	s0 =	rddreg [dreg:$0x2]  }
0x153: {  	s0 =	sadd.s32 @!p0 $0x100000, s0  }
0x154: {  	[sflag:s0] =	ssyncadd.tile.s32 @!p0 $0x1;
	_ =	shalt  }
.Lfunc_end2:
_tile_overlayer_lowered:
.L_overlay_start_2:
0x155: {  	(tag) =	ssettag $0x2  }
0x156: {  	s0 =	rddreg [dreg:$0x0];
	s2 =	stileid.u32  }
0x157: {  	s1 =	rddreg [dreg:$0x1];
	p0 =	sne.s32 s2, $0x0  }
0x158: {  	s3 =	rddreg [dreg:$0x2];
	[bflag:$0x3] =	sbarrier.arrive $0xFFFF;
	s2 =	simm.s32 @!p0 $0x1C06  }
0x159: {  	[timem:s3], [sflag:s2] =	dma.local @!p0 [hbm:s0], s1  }
0x15a: {  	s0 =	simm.s32 @!p0 $0x6  }
0x15b: {  	_ =	swait.ge @!p0 [sflag:s0], s1  }
0x15c: {  	s1 =	ssub.s32 @!p0 $0x0, s1;
	[sflag:s0] =	ssyncset.done @!p0 $0x0  }
0x15d: {  	[sflag:s0] =	ssyncadd.s32 @!p0 s1  }
0x15e: {  	[bflag:$0x3] =	sbarrier.arrive $0xFFFF  }
0x15f: {  	_ =	shalt  }

</sc_bundles>
